<compile_context>
chip_gen: v7x
topology: tpu7x:2x2x1
jax: 0.10.2.dev20260603
libtpu: 0.0.44.dev20260713+nightly
codegen_flags: <defaults>
</compile_context>

<pallas_src>
import functools

import jax
import jax.numpy as jnp
from jax import lax
from jax.experimental import pallas as pl
from jax.experimental.pallas import tpu as pltpu
from jax.experimental.pallas import tpu_sc as plsc

B = 8
TV, DV = 64, 512
TP, DP = 256, 64
TI, DI = 512, 32
TT = 128
NPTS = 262144
GRID = 64
INV_VOX = 16.0
GMIN = -2.0

NW = 32
B_PER_SC = 4
HIST_N = B_PER_SC * GRID * GRID * GRID
DUMP = HIST_N
PTS_PER_TILE = (B_PER_SC * NPTS) // 16
CHUNK_PTS = 4096
N_CHUNKS = PTS_PER_TILE // CHUNK_PTS
RED_WORDS = HIST_N // 16
RED_CHUNK = 16384

G_CHUNK = 32768
N_G = NPTS // G_CHUNK


def _idx_body(x_ref, y_ref, z_ref, out_ref):
    def coords(ref):
        cf = (ref[0] - GMIN) * INV_VOX
        ci = jnp.minimum(jnp.maximum(cf, 0.0), 63.0).astype(jnp.int32)
        ok = (cf >= 0.0) & (cf < float(GRID))
        return ci, ok

    cx, okx = coords(x_ref)
    cy, oky = coords(y_ref)
    cz, okz = coords(z_ref)
    valid = okx & oky & okz
    bloc = lax.broadcasted_iota(jnp.int32, (B, G_CHUNK), 0) % B_PER_SC
    spread = lax.broadcasted_iota(jnp.int32, (B, G_CHUNK), 1) % 128
    flat = bloc * (GRID * GRID * GRID) + cx * (GRID * GRID) + cy * GRID + cz
    idx = jnp.where(valid, flat, DUMP + spread)
    out_ref[...] = idx.reshape(B * G_CHUNK)


def _point_bin_indices(points):
    pts3 = jnp.transpose(points, (2, 0, 1))
    idx = pl.pallas_call(
        _idx_body,
        grid=(N_G,),
        in_specs=[
            pl.BlockSpec((1, B, G_CHUNK), lambda g: (0, 0, g)),
            pl.BlockSpec((1, B, G_CHUNK), lambda g: (1, 0, g)),
            pl.BlockSpec((1, B, G_CHUNK), lambda g: (2, 0, g)),
        ],
        out_specs=pl.BlockSpec((B * G_CHUNK,), lambda g: (g,)),
        out_shape=jax.ShapeDtypeStruct((B * NPTS,), jnp.int32),
    )(pts3, pts3, pts3)
    return idx


SCAT = 512


def _sc_voxel_body(idx_hbm, out_hbm,
                   hist, iba, ibb, ones, rbuf, obuf, lsem, ssem):
    c = lax.axis_index("c")
    s = lax.axis_index("s")
    wid = c * 16 + s

    zero16 = jnp.zeros((16,), jnp.float32)

    @plsc.parallel_loop(0, RED_CHUNK // 16, unroll=8)
    def _zero(t):
        rbuf[pl.ds(t * 16, 16)] = zero16

    one = jnp.full((16,), 1.0, jnp.float32)
    for t in range(SCAT // 16):
        ones[pl.ds(t * 16, 16)] = one
    for q in range(RED_WORDS // RED_CHUNK):
        pltpu.sync_copy(rbuf,
                        hist.at[pl.ds(s * RED_WORDS + q * RED_CHUNK,
                                      RED_CHUNK)])

    def chunk_off(k):
        q = 2 * s + k // 8
        return ((q // B_PER_SC) * (B * G_CHUNK)
                + (c * B_PER_SC + q % B_PER_SC) * G_CHUNK
                + (k % 8) * CHUNK_PTS)

    def load_desc(k, buf):
        return pltpu.make_async_copy(
            idx_hbm.at[pl.ds(chunk_off(k), CHUNK_PTS)], buf, lsem)

    def scatter(buf):
        copies = []
        for j in range(CHUNK_PTS // SCAT):
            copies.append(pltpu.async_copy(
                ones, hist.at[buf.at[pl.ds(j * SCAT, SCAT)]], ssem))
        for cp in copies:
            cp.wait()

    load_desc(0, iba).start()
    plsc.subcore_barrier()

    def chunk_body(m, _):
        load_desc(2 * m, iba).wait()
        load_desc(2 * m + 1, ibb).start()
        scatter(iba)
        load_desc(2 * m + 1, ibb).wait()

        @pl.when(m + 1 < N_CHUNKS // 2)
        def _():
            load_desc(2 * m + 2, iba).start()

        scatter(ibb)
        return 0

    lax.fori_loop(0, N_CHUNKS // 2, chunk_body, 0)
    plsc.subcore_barrier()

    acc = (jnp.zeros((16,), jnp.float32), jnp.zeros((16,), jnp.float32),
           jnp.zeros((16,), jnp.float32), jnp.zeros((16,), jnp.float32))
    for q in range(RED_WORDS // RED_CHUNK):
        pltpu.sync_copy(hist.at[pl.ds(s * RED_WORDS + q * RED_CHUNK, RED_CHUNK)],
                        rbuf)

        @plsc.parallel_loop(0, RED_CHUNK // 64, unroll=4, carry=acc)
        def red_body(r, a):
            a0, a1, a2, a3 = a
            base = r * 64
            a0 = a0 + rbuf[pl.ds(base, 16)]
            a1 = a1 + rbuf[pl.ds(base + 16, 16)]
            a2 = a2 + rbuf[pl.ds(base + 32, 16)]
            a3 = a3 + rbuf[pl.ds(base + 48, 16)]
            return (a0, a1, a2, a3)

        acc = red_body

    for j in range(4):
        obuf[pl.ds(j * 16, 16)] = acc[j]
    pltpu.sync_copy(obuf, out_hbm.at[wid])


def _sc_partial_summaries(idx3):
    mesh = plsc.VectorSubcoreMesh(core_axis_name="c", subcore_axis_name="s")
    kern = functools.partial(
        pl.kernel,
        mesh=mesh,
        out_type=jax.ShapeDtypeStruct((NW, GRID), jnp.float32),
        scratch_types=[
            pltpu.VMEM_SHARED((HIST_N + 128,), jnp.float32),
            pltpu.VMEM((CHUNK_PTS,), jnp.int32),
            pltpu.VMEM((CHUNK_PTS,), jnp.int32),
            pltpu.VMEM((SCAT,), jnp.float32),
            pltpu.VMEM((RED_CHUNK,), jnp.float32),
            pltpu.VMEM((GRID,), jnp.float32),
            pltpu.SemaphoreType.DMA,
            pltpu.SemaphoreType.DMA,
        ],
    )(_sc_voxel_body)
    return kern(idx3)


def _interp(times, tq, feats):
    T = times.shape[0]
    idx = jnp.sum((times[None, :] < tq[:, None]).astype(jnp.int32), axis=1)
    idx = jnp.clip(idx, 1, T - 1)
    ii = lax.broadcasted_iota(jnp.int32, (TT, T), 1)
    oh0 = (ii == (idx - 1)[:, None]).astype(jnp.float32)
    oh1 = (ii == idx[:, None]).astype(jnp.float32)
    t0 = jnp.sum(oh0 * times[None, :], axis=1)
    t1 = jnp.sum(oh1 * times[None, :], axis=1)
    w = jnp.clip((tq - t0) / (t1 - t0 + 1e-8), 0.0, 1.0)
    M = oh0 * (1.0 - w)[:, None] + oh1 * w[:, None]
    return jnp.dot(M, feats, preferred_element_type=jnp.float32,
                   precision=lax.Precision.HIGHEST)


def _fuse_body(vision_ref, vt_ref, proprio_ref, pt_ref, imu_ref, it_ref,
               tt_ref, out_ref):
    tq = tt_ref[0, 0, :]
    v = _interp(vt_ref[0, 0, :], tq, vision_ref[0])
    p = _interp(pt_ref[0, 0, :], tq, proprio_ref[0])
    im = _interp(it_ref[0, 0, :], tq, imu_ref[0])
    out_ref[0] = jnp.concatenate([v, p, im], axis=-1)


def _summ_body(part_ref, out_ref):
    summ = jnp.sum(part_ref[...], axis=0) * (1.0 / (B * GRID * GRID))
    out_ref[0] = jnp.broadcast_to(summ[None, :], (TT, GRID))


def kernel(vision, vision_times, proprio, proprio_times, imu, imu_times,
           target_times, points):
    idx3 = _point_bin_indices(points)
    partials = _sc_partial_summaries(idx3)

    DF = DV + DP + DI
    fused = pl.pallas_call(
        _fuse_body,
        grid=(B,),
        in_specs=[
            pl.BlockSpec((1, TV, DV), lambda b: (b, 0, 0)),
            pl.BlockSpec((1, 1, TV), lambda b: (b, 0, 0)),
            pl.BlockSpec((1, TP, DP), lambda b: (b, 0, 0)),
            pl.BlockSpec((1, 1, TP), lambda b: (b, 0, 0)),
            pl.BlockSpec((1, TI, DI), lambda b: (b, 0, 0)),
            pl.BlockSpec((1, 1, TI), lambda b: (b, 0, 0)),
            pl.BlockSpec((1, 1, TT), lambda b: (b, 0, 0)),
        ],
        out_specs=pl.BlockSpec((1, TT, DF), lambda b: (b, 0, 0)),
        out_shape=jax.ShapeDtypeStruct((B, TT, DF), jnp.float32),
    )(vision, vision_times.reshape(B, 1, TV),
      proprio, proprio_times.reshape(B, 1, TP),
      imu, imu_times.reshape(B, 1, TI),
      target_times.reshape(B, 1, TT))

    vox = pl.pallas_call(
        _summ_body,
        grid=(B,),
        in_specs=[pl.BlockSpec((NW, GRID), lambda b: (0, 0))],
        out_specs=pl.BlockSpec((1, TT, GRID), lambda b: (b, 0, 0)),
        out_shape=jax.ShapeDtypeStruct((B, TT, GRID), jnp.float32),
    )(partials)
    return jnp.concatenate([fused, vox], axis=-1)

# --- scband reference (transcript-rebuilt; emitter-appended) ---
"""Pipeline reference for scband-robo-cache-preprocessor-28741921145371 (READ-ONLY COPY).

The authoritative reference and input builder live on the scoring server;
editing this copy changes nothing except your own understanding.
"""

import jax, jax.numpy as jnp
import numpy as np

B = 8
TV, DV = 64, 512
TP, DP = 256, 64
TI, DI = 512, 32
TT = 128
NPTS = 262144
GRID = 64
VOX = 0.0625
GMIN = -2.0


def setup_inputs(seed: int = 0) -> dict:
    key = jax.random.key(seed)
    ks = jax.random.split(key, 9)
    vision = jax.random.normal(ks[0], (B, TV, DV), dtype=jnp.float32)
    vision_times = jnp.sort(jax.random.uniform(ks[1], (B, TV), minval=0.0, maxval=10.0, dtype=jnp.float32), axis=-1)
    proprio = jax.random.normal(ks[2], (B, TP, DP), dtype=jnp.float32)
    proprio_times = jnp.sort(jax.random.uniform(ks[3], (B, TP), minval=0.0, maxval=10.0, dtype=jnp.float32), axis=-1)
    imu = jax.random.normal(ks[4], (B, TI, DI), dtype=jnp.float32)
    imu_times = jnp.sort(jax.random.uniform(ks[5], (B, TI), minval=0.0, maxval=10.0, dtype=jnp.float32), axis=-1)
    target_times = jnp.sort(jax.random.uniform(ks[6], (B, TT), minval=0.0, maxval=10.0, dtype=jnp.float32), axis=-1)
    points = jax.random.uniform(ks[7], (B, NPTS, 3), minval=-2.5, maxval=2.5, dtype=jnp.float32)
    return {"vision": vision, "vision_times": vision_times, "proprio": proprio, "proprio_times": proprio_times, "imu": imu, "imu_times": imu_times, "target_times": target_times, "points": points}


def _interp_one(times, feats, tq):
    T = times.shape[0]
    idx = jnp.clip(jnp.searchsorted(times, tq), 1, T - 1)
    t0 = times[idx - 1]
    t1 = times[idx]
    w = jnp.clip((tq - t0) / (t1 - t0 + 1e-8), 0.0, 1.0)
    return feats[idx - 1] * (1.0 - w[:, None]) + feats[idx] * w[:, None]


def _fuse_multimodal(vision, vt, proprio, pt, imu, it, tt):
    f = jax.vmap(_interp_one)
    return jnp.concatenate([f(vt, vision, tt), f(pt, proprio, tt), f(it, imu, tt)], axis=-1)


def _voxelize_occupancy(points):
    coords = jnp.floor((points - GMIN) / VOX).astype(jnp.int32)
    valid = jnp.all((coords >= 0) & (coords < GRID), axis=-1)
    coords = jnp.clip(coords, 0, GRID - 1)
    b_idx = jnp.broadcast_to(jnp.arange(B, dtype=jnp.int32)[:, None], (B, points.shape[1]))
    flat = ((b_idx * GRID + coords[..., 0]) * GRID + coords[..., 1]) * GRID + coords[..., 2]
    counts = jnp.zeros((B * GRID * GRID * GRID,), dtype=jnp.float32).at[flat.reshape(-1)].add(valid.reshape(-1).astype(jnp.float32))
    occ = (counts > 0).astype(jnp.float32).reshape(B, GRID, GRID, GRID)
    return occ


def reference(vision, vision_times, proprio, proprio_times, imu, imu_times, target_times, points):
    fused = _fuse_multimodal(vision, vision_times, proprio, proprio_times, imu, imu_times, target_times)
    voxel_grid = _voxelize_occupancy(points)
    voxel_summary = voxel_grid.mean(axis=(0, 1, 2))
    voxel_summary = jnp.broadcast_to(voxel_summary[None, None, :], (fused.shape[0], fused.shape[1], voxel_summary.shape[-1]))
    return jnp.concatenate([fused, voxel_summary], axis=-1)

if __name__ == "__main__":
    import jax
    _d = setup_inputs()
    print(jax.jit(kernel)(*tuple(_d.values())))

</pallas_src>

<mosaic_0001>
#map = affine_map<(d0, d1) -> (0)>
#map1 = affine_map<(d0, d1) -> (0, 0)>
module attributes {stable_mosaic.version = 14 : i64} {
  func.func @_sc_voxel_body(%arg0: i32, %arg1: i32, %arg2: memref<2097152xi32, #tpu.memory_space<hbm>>, %arg3: memref<32x64xf32, #tpu.memory_space<hbm>>, %arg4: memref<1048704xf32, #tpu.memory_space<vmem_shared>>, %arg5: memref<4096xi32, #tpu.memory_space<vmem>>, %arg6: memref<4096xi32, #tpu.memory_space<vmem>>, %arg7: memref<512xf32, #tpu.memory_space<vmem>>, %arg8: memref<16384xf32, #tpu.memory_space<vmem>>, %arg9: memref<64xf32, #tpu.memory_space<vmem>>, %arg10: memref<!tpu.dma_semaphore, #tpu.memory_space<semaphore_mem>>, %arg11: memref<!tpu.dma_semaphore, #tpu.memory_space<semaphore_mem>>) attributes {dimension_semantics = [#tpu.dimension_semantics<core_parallel>, #tpu.dimension_semantics<subcore_parallel>], iteration_bounds = array<i64: 2, 16>, scalar_prefetch = 0 : i64, scratch_operands = 8 : i64, tpu.core_type = #tpu.core_type<sc_vector_subcore>, window_params = [{transform_indices = #map}, {transform_indices = #map1}]} {
    %mul3A = arith.constant 16 : i32
    %mul3A_0 = arith.muli %arg0, %mul3A : i32
    %add3A = arith.addi %mul3A_0, %arg1 : i32
    %broadcast_in_dim3A = arith.constant 0.000000e+00 : f32
    %broadcast_in_dim3A_1 = vector.broadcast %broadcast_in_dim3A : f32 to vector<16xf32>
    %parallel_loop3A = arith.constant 0 : i32
    %parallel_loop3A_2 = arith.constant 1024 : i32
    %parallel_loop3A_3 = arith.constant 1 : i32
    scf.for %parallel_loop3A_257 = %parallel_loop3A to %parallel_loop3A_2 step %parallel_loop3A_3  : i32 {
      %parallel_loop3A_258 = arith.constant 16 : i32
      %parallel_loop3A_259 = arith.muli %parallel_loop3A_257, %parallel_loop3A_258 : i32
      %parallel_loop3A_260 = arith.index_cast %parallel_loop3A_259 : i32 to index
      %parallel_loop3A_261 = tpu.vector_load %arg8[%parallel_loop3A_260] {strides = array<i32>} : memref<16384xf32, #tpu.memory_space<vmem>>, vector<16xf32>,
      %parallel_loop3A_262 = vector.shape_cast %parallel_loop3A_261 : vector<16xf32> to vector<16xf32>
      %parallel_loop3A_263 = vector.shape_cast %broadcast_in_dim3A_1 : vector<16xf32> to vector<16xf32>
      tpu.vector_store %arg8[%parallel_loop3A_260], %parallel_loop3A_263 {strides = array<i32>} : memref<16384xf32, #tpu.memory_space<vmem>>, vector<16xf32>,
    } {sc.loop_unroll_factor = 8 : i64, sc.parallel_access}
    %broadcast_in_dim3A_4 = arith.constant 1.000000e+00 : f32
    %broadcast_in_dim3A_5 = vector.broadcast %broadcast_in_dim3A_4 : f32 to vector<16xf32>
    %swap3A = arith.constant 0 : index
    %swap3A_6 = tpu.vector_load %arg7[%swap3A] {strides = array<i32>} : memref<512xf32, #tpu.memory_space<vmem>>, vector<16xf32>,
    %swap3A_7 = vector.shape_cast %swap3A_6 : vector<16xf32> to vector<16xf32>
    %swap3A_8 = vector.shape_cast %broadcast_in_dim3A_5 : vector<16xf32> to vector<16xf32>
    tpu.vector_store %arg7[%swap3A], %swap3A_8 {strides = array<i32>} : memref<512xf32, #tpu.memory_space<vmem>>, vector<16xf32>,
    %swap3A_9 = arith.constant 16 : index
    %swap3A_10 = tpu.vector_load %arg7[%swap3A_9] {strides = array<i32>} : memref<512xf32, #tpu.memory_space<vmem>>, vector<16xf32>,
    %swap3A_11 = vector.shape_cast %swap3A_10 : vector<16xf32> to vector<16xf32>
    %swap3A_12 = vector.shape_cast %broadcast_in_dim3A_5 : vector<16xf32> to vector<16xf32>
    tpu.vector_store %arg7[%swap3A_9], %swap3A_12 {strides = array<i32>} : memref<512xf32, #tpu.memory_space<vmem>>, vector<16xf32>,
    %swap3A_13 = arith.constant 32 : index
    %swap3A_14 = tpu.vector_load %arg7[%swap3A_13] {strides = array<i32>} : memref<512xf32, #tpu.memory_space<vmem>>, vector<16xf32>,
    %swap3A_15 = vector.shape_cast %swap3A_14 : vector<16xf32> to vector<16xf32>
    %swap3A_16 = vector.shape_cast %broadcast_in_dim3A_5 : vector<16xf32> to vector<16xf32>
    tpu.vector_store %arg7[%swap3A_13], %swap3A_16 {strides = array<i32>} : memref<512xf32, #tpu.memory_space<vmem>>, vector<16xf32>,
    %swap3A_17 = arith.constant 48 : index
    %swap3A_18 = tpu.vector_load %arg7[%swap3A_17] {strides = array<i32>} : memref<512xf32, #tpu.memory_space<vmem>>, vector<16xf32>,
    %swap3A_19 = vector.shape_cast %swap3A_18 : vector<16xf32> to vector<16xf32>
    %swap3A_20 = vector.shape_cast %broadcast_in_dim3A_5 : vector<16xf32> to vector<16xf32>
    tpu.vector_store %arg7[%swap3A_17], %swap3A_20 {strides = array<i32>} : memref<512xf32, #tpu.memory_space<vmem>>, vector<16xf32>,
    %swap3A_21 = arith.constant 64 : index
    %swap3A_22 = tpu.vector_load %arg7[%swap3A_21] {strides = array<i32>} : memref<512xf32, #tpu.memory_space<vmem>>, vector<16xf32>,
    %swap3A_23 = vector.shape_cast %swap3A_22 : vector<16xf32> to vector<16xf32>
    %swap3A_24 = vector.shape_cast %broadcast_in_dim3A_5 : vector<16xf32> to vector<16xf32>
    tpu.vector_store %arg7[%swap3A_21], %swap3A_24 {strides = array<i32>} : memref<512xf32, #tpu.memory_space<vmem>>, vector<16xf32>,
    %swap3A_25 = arith.constant 80 : index
    %swap3A_26 = tpu.vector_load %arg7[%swap3A_25] {strides = array<i32>} : memref<512xf32, #tpu.memory_space<vmem>>, vector<16xf32>,
    %swap3A_27 = vector.shape_cast %swap3A_26 : vector<16xf32> to vector<16xf32>
    %swap3A_28 = vector.shape_cast %broadcast_in_dim3A_5 : vector<16xf32> to vector<16xf32>
    tpu.vector_store %arg7[%swap3A_25], %swap3A_28 {strides = array<i32>} : memref<512xf32, #tpu.memory_space<vmem>>, vector<16xf32>,
    %swap3A_29 = arith.constant 96 : index
    %swap3A_30 = tpu.vector_load %arg7[%swap3A_29] {strides = array<i32>} : memref<512xf32, #tpu.memory_space<vmem>>, vector<16xf32>,
    %swap3A_31 = vector.shape_cast %swap3A_30 : vector<16xf32> to vector<16xf32>
    %swap3A_32 = vector.shape_cast %broadcast_in_dim3A_5 : vector<16xf32> to vector<16xf32>
    tpu.vector_store %arg7[%swap3A_29], %swap3A_32 {strides = array<i32>} : memref<512xf32, #tpu.memory_space<vmem>>, vector<16xf32>,
    %swap3A_33 = arith.constant 112 : index
    %swap3A_34 = tpu.vector_load %arg7[%swap3A_33] {strides = array<i32>} : memref<512xf32, #tpu.memory_space<vmem>>, vector<16xf32>,
    %swap3A_35 = vector.shape_cast %swap3A_34 : vector<16xf32> to vector<16xf32>
    %swap3A_36 = vector.shape_cast %broadcast_in_dim3A_5 : vector<16xf32> to vector<16xf32>
    tpu.vector_store %arg7[%swap3A_33], %swap3A_36 {strides = array<i32>} : memref<512xf32, #tpu.memory_space<vmem>>, vector<16xf32>,
    %swap3A_37 = arith.constant 128 : index
    %swap3A_38 = tpu.vector_load %arg7[%swap3A_37] {strides = array<i32>} : memref<512xf32, #tpu.memory_space<vmem>>, vector<16xf32>,
    %swap3A_39 = vector.shape_cast %swap3A_38 : vector<16xf32> to vector<16xf32>
    %swap3A_40 = vector.shape_cast %broadcast_in_dim3A_5 : vector<16xf32> to vector<16xf32>
    tpu.vector_store %arg7[%swap3A_37], %swap3A_40 {strides = array<i32>} : memref<512xf32, #tpu.memory_space<vmem>>, vector<16xf32>,
    %swap3A_41 = arith.constant 144 : index
    %swap3A_42 = tpu.vector_load %arg7[%swap3A_41] {strides = array<i32>} : memref<512xf32, #tpu.memory_space<vmem>>, vector<16xf32>,
    %swap3A_43 = vector.shape_cast %swap3A_42 : vector<16xf32> to vector<16xf32>
    %swap3A_44 = vector.shape_cast %broadcast_in_dim3A_5 : vector<16xf32> to vector<16xf32>
    tpu.vector_store %arg7[%swap3A_41], %swap3A_44 {strides = array<i32>} : memref<512xf32, #tpu.memory_space<vmem>>, vector<16xf32>,
    %swap3A_45 = arith.constant 160 : index
    %swap3A_46 = tpu.vector_load %arg7[%swap3A_45] {strides = array<i32>} : memref<512xf32, #tpu.memory_space<vmem>>, vector<16xf32>,
    %swap3A_47 = vector.shape_cast %swap3A_46 : vector<16xf32> to vector<16xf32>
    %swap3A_48 = vector.shape_cast %broadcast_in_dim3A_5 : vector<16xf32> to vector<16xf32>
    tpu.vector_store %arg7[%swap3A_45], %swap3A_48 {strides = array<i32>} : memref<512xf32, #tpu.memory_space<vmem>>, vector<16xf32>,
    %swap3A_49 = arith.constant 176 : index
    %swap3A_50 = tpu.vector_load %arg7[%swap3A_49] {strides = array<i32>} : memref<512xf32, #tpu.memory_space<vmem>>, vector<16xf32>,
    %swap3A_51 = vector.shape_cast %swap3A_50 : vector<16xf32> to vector<16xf32>
    %swap3A_52 = vector.shape_cast %broadcast_in_dim3A_5 : vector<16xf32> to vector<16xf32>
    tpu.vector_store %arg7[%swap3A_49], %swap3A_52 {strides = array<i32>} : memref<512xf32, #tpu.memory_space<vmem>>, vector<16xf32>,
    %swap3A_53 = arith.constant 192 : index
    %swap3A_54 = tpu.vector_load %arg7[%swap3A_53] {strides = array<i32>} : memref<512xf32, #tpu.memory_space<vmem>>, vector<16xf32>,
    %swap3A_55 = vector.shape_cast %swap3A_54 : vector<16xf32> to vector<16xf32>
    %swap3A_56 = vector.shape_cast %broadcast_in_dim3A_5 : vector<16xf32> to vector<16xf32>
    tpu.vector_store %arg7[%swap3A_53], %swap3A_56 {strides = array<i32>} : memref<512xf32, #tpu.memory_space<vmem>>, vector<16xf32>,
    %swap3A_57 = arith.constant 208 : index
    %swap3A_58 = tpu.vector_load %arg7[%swap3A_57] {strides = array<i32>} : memref<512xf32, #tpu.memory_space<vmem>>, vector<16xf32>,
    %swap3A_59 = vector.shape_cast %swap3A_58 : vector<16xf32> to vector<16xf32>
    %swap3A_60 = vector.shape_cast %broadcast_in_dim3A_5 : vector<16xf32> to vector<16xf32>
    tpu.vector_store %arg7[%swap3A_57], %swap3A_60 {strides = array<i32>} : memref<512xf32, #tpu.memory_space<vmem>>, vector<16xf32>,
    %swap3A_61 = arith.constant 224 : index
    %swap3A_62 = tpu.vector_load %arg7[%swap3A_61] {strides = array<i32>} : memref<512xf32, #tpu.memory_space<vmem>>, vector<16xf32>,
    %swap3A_63 = vector.shape_cast %swap3A_62 : vector<16xf32> to vector<16xf32>
    %swap3A_64 = vector.shape_cast %broadcast_in_dim3A_5 : vector<16xf32> to vector<16xf32>
    tpu.vector_store %arg7[%swap3A_61], %swap3A_64 {strides = array<i32>} : memref<512xf32, #tpu.memory_space<vmem>>, vector<16xf32>,
    %swap3A_65 = arith.constant 240 : index
    %swap3A_66 = tpu.vector_load %arg7[%swap3A_65] {strides = array<i32>} : memref<512xf32, #tpu.memory_space<vmem>>, vector<16xf32>,
    %swap3A_67 = vector.shape_cast %swap3A_66 : vector<16xf32> to vector<16xf32>
    %swap3A_68 = vector.shape_cast %broadcast_in_dim3A_5 : vector<16xf32> to vector<16xf32>
    tpu.vector_store %arg7[%swap3A_65], %swap3A_68 {strides = array<i32>} : memref<512xf32, #tpu.memory_space<vmem>>, vector<16xf32>,
    %swap3A_69 = arith.constant 256 : index
    %swap3A_70 = tpu.vector_load %arg7[%swap3A_69] {strides = array<i32>} : memref<512xf32, #tpu.memory_space<vmem>>, vector<16xf32>,
    %swap3A_71 = vector.shape_cast %swap3A_70 : vector<16xf32> to vector<16xf32>
    %swap3A_72 = vector.shape_cast %broadcast_in_dim3A_5 : vector<16xf32> to vector<16xf32>
    tpu.vector_store %arg7[%swap3A_69], %swap3A_72 {strides = array<i32>} : memref<512xf32, #tpu.memory_space<vmem>>, vector<16xf32>,
    %swap3A_73 = arith.constant 272 : index
    %swap3A_74 = tpu.vector_load %arg7[%swap3A_73] {strides = array<i32>} : memref<512xf32, #tpu.memory_space<vmem>>, vector<16xf32>,
    %swap3A_75 = vector.shape_cast %swap3A_74 : vector<16xf32> to vector<16xf32>
    %swap3A_76 = vector.shape_cast %broadcast_in_dim3A_5 : vector<16xf32> to vector<16xf32>
    tpu.vector_store %arg7[%swap3A_73], %swap3A_76 {strides = array<i32>} : memref<512xf32, #tpu.memory_space<vmem>>, vector<16xf32>,
    %swap3A_77 = arith.constant 288 : index
    %swap3A_78 = tpu.vector_load %arg7[%swap3A_77] {strides = array<i32>} : memref<512xf32, #tpu.memory_space<vmem>>, vector<16xf32>,
    %swap3A_79 = vector.shape_cast %swap3A_78 : vector<16xf32> to vector<16xf32>
    %swap3A_80 = vector.shape_cast %broadcast_in_dim3A_5 : vector<16xf32> to vector<16xf32>
    tpu.vector_store %arg7[%swap3A_77], %swap3A_80 {strides = array<i32>} : memref<512xf32, #tpu.memory_space<vmem>>, vector<16xf32>,
    %swap3A_81 = arith.constant 304 : index
    %swap3A_82 = tpu.vector_load %arg7[%swap3A_81] {strides = array<i32>} : memref<512xf32, #tpu.memory_space<vmem>>, vector<16xf32>,
    %swap3A_83 = vector.shape_cast %swap3A_82 : vector<16xf32> to vector<16xf32>
    %swap3A_84 = vector.shape_cast %broadcast_in_dim3A_5 : vector<16xf32> to vector<16xf32>
    tpu.vector_store %arg7[%swap3A_81], %swap3A_84 {strides = array<i32>} : memref<512xf32, #tpu.memory_space<vmem>>, vector<16xf32>,
    %swap3A_85 = arith.constant 320 : index
    %swap3A_86 = tpu.vector_load %arg7[%swap3A_85] {strides = array<i32>} : memref<512xf32, #tpu.memory_space<vmem>>, vector<16xf32>,
    %swap3A_87 = vector.shape_cast %swap3A_86 : vector<16xf32> to vector<16xf32>
    %swap3A_88 = vector.shape_cast %broadcast_in_dim3A_5 : vector<16xf32> to vector<16xf32>
    tpu.vector_store %arg7[%swap3A_85], %swap3A_88 {strides = array<i32>} : memref<512xf32, #tpu.memory_space<vmem>>, vector<16xf32>,
    %swap3A_89 = arith.constant 336 : index
    %swap3A_90 = tpu.vector_load %arg7[%swap3A_89] {strides = array<i32>} : memref<512xf32, #tpu.memory_space<vmem>>, vector<16xf32>,
    %swap3A_91 = vector.shape_cast %swap3A_90 : vector<16xf32> to vector<16xf32>
    %swap3A_92 = vector.shape_cast %broadcast_in_dim3A_5 : vector<16xf32> to vector<16xf32>
    tpu.vector_store %arg7[%swap3A_89], %swap3A_92 {strides = array<i32>} : memref<512xf32, #tpu.memory_space<vmem>>, vector<16xf32>,
    %swap3A_93 = arith.constant 352 : index
    %swap3A_94 = tpu.vector_load %arg7[%swap3A_93] {strides = array<i32>} : memref<512xf32, #tpu.memory_space<vmem>>, vector<16xf32>,
    %swap3A_95 = vector.shape_cast %swap3A_94 : vector<16xf32> to vector<16xf32>
    %swap3A_96 = vector.shape_cast %broadcast_in_dim3A_5 : vector<16xf32> to vector<16xf32>
    tpu.vector_store %arg7[%swap3A_93], %swap3A_96 {strides = array<i32>} : memref<512xf32, #tpu.memory_space<vmem>>, vector<16xf32>,
    %swap3A_97 = arith.constant 368 : index
    %swap3A_98 = tpu.vector_load %arg7[%swap3A_97] {strides = array<i32>} : memref<512xf32, #tpu.memory_space<vmem>>, vector<16xf32>,
    %swap3A_99 = vector.shape_cast %swap3A_98 : vector<16xf32> to vector<16xf32>
    %swap3A_100 = vector.shape_cast %broadcast_in_dim3A_5 : vector<16xf32> to vector<16xf32>
    tpu.vector_store %arg7[%swap3A_97], %swap3A_100 {strides = array<i32>} : memref<512xf32, #tpu.memory_space<vmem>>, vector<16xf32>,
    %swap3A_101 = arith.constant 384 : index
    %swap3A_102 = tpu.vector_load %arg7[%swap3A_101] {strides = array<i32>} : memref<512xf32, #tpu.memory_space<vmem>>, vector<16xf32>,
    %swap3A_103 = vector.shape_cast %swap3A_102 : vector<16xf32> to vector<16xf32>
    %swap3A_104 = vector.shape_cast %broadcast_in_dim3A_5 : vector<16xf32> to vector<16xf32>
    tpu.vector_store %arg7[%swap3A_101], %swap3A_104 {strides = array<i32>} : memref<512xf32, #tpu.memory_space<vmem>>, vector<16xf32>,
    %swap3A_105 = arith.constant 400 : index
    %swap3A_106 = tpu.vector_load %arg7[%swap3A_105] {strides = array<i32>} : memref<512xf32, #tpu.memory_space<vmem>>, vector<16xf32>,
    %swap3A_107 = vector.shape_cast %swap3A_106 : vector<16xf32> to vector<16xf32>
    %swap3A_108 = vector.shape_cast %broadcast_in_dim3A_5 : vector<16xf32> to vector<16xf32>
    tpu.vector_store %arg7[%swap3A_105], %swap3A_108 {strides = array<i32>} : memref<512xf32, #tpu.memory_space<vmem>>, vector<16xf32>,
    %swap3A_109 = arith.constant 416 : index
    %swap3A_110 = tpu.vector_load %arg7[%swap3A_109] {strides = array<i32>} : memref<512xf32, #tpu.memory_space<vmem>>, vector<16xf32>,
    %swap3A_111 = vector.shape_cast %swap3A_110 : vector<16xf32> to vector<16xf32>
    %swap3A_112 = vector.shape_cast %broadcast_in_dim3A_5 : vector<16xf32> to vector<16xf32>
    tpu.vector_store %arg7[%swap3A_109], %swap3A_112 {strides = array<i32>} : memref<512xf32, #tpu.memory_space<vmem>>, vector<16xf32>,
    %swap3A_113 = arith.constant 432 : index
    %swap3A_114 = tpu.vector_load %arg7[%swap3A_113] {strides = array<i32>} : memref<512xf32, #tpu.memory_space<vmem>>, vector<16xf32>,
    %swap3A_115 = vector.shape_cast %swap3A_114 : vector<16xf32> to vector<16xf32>
    %swap3A_116 = vector.shape_cast %broadcast_in_dim3A_5 : vector<16xf32> to vector<16xf32>
    tpu.vector_store %arg7[%swap3A_113], %swap3A_116 {strides = array<i32>} : memref<512xf32, #tpu.memory_space<vmem>>, vector<16xf32>,
    %swap3A_117 = arith.constant 448 : index
    %swap3A_118 = tpu.vector_load %arg7[%swap3A_117] {strides = array<i32>} : memref<512xf32, #tpu.memory_space<vmem>>, vector<16xf32>,
    %swap3A_119 = vector.shape_cast %swap3A_118 : vector<16xf32> to vector<16xf32>
    %swap3A_120 = vector.shape_cast %broadcast_in_dim3A_5 : vector<16xf32> to vector<16xf32>
    tpu.vector_store %arg7[%swap3A_117], %swap3A_120 {strides = array<i32>} : memref<512xf32, #tpu.memory_space<vmem>>, vector<16xf32>,
    %swap3A_121 = arith.constant 464 : index
    %swap3A_122 = tpu.vector_load %arg7[%swap3A_121] {strides = array<i32>} : memref<512xf32, #tpu.memory_space<vmem>>, vector<16xf32>,
    %swap3A_123 = vector.shape_cast %swap3A_122 : vector<16xf32> to vector<16xf32>
    %swap3A_124 = vector.shape_cast %broadcast_in_dim3A_5 : vector<16xf32> to vector<16xf32>
    tpu.vector_store %arg7[%swap3A_121], %swap3A_124 {strides = array<i32>} : memref<512xf32, #tpu.memory_space<vmem>>, vector<16xf32>,
    %swap3A_125 = arith.constant 480 : index
    %swap3A_126 = tpu.vector_load %arg7[%swap3A_125] {strides = array<i32>} : memref<512xf32, #tpu.memory_space<vmem>>, vector<16xf32>,
    %swap3A_127 = vector.shape_cast %swap3A_126 : vector<16xf32> to vector<16xf32>
    %swap3A_128 = vector.shape_cast %broadcast_in_dim3A_5 : vector<16xf32> to vector<16xf32>
    tpu.vector_store %arg7[%swap3A_125], %swap3A_128 {strides = array<i32>} : memref<512xf32, #tpu.memory_space<vmem>>, vector<16xf32>,
    %swap3A_129 = arith.constant 496 : index
    %swap3A_130 = tpu.vector_load %arg7[%swap3A_129] {strides = array<i32>} : memref<512xf32, #tpu.memory_space<vmem>>, vector<16xf32>,
    %swap3A_131 = vector.shape_cast %swap3A_130 : vector<16xf32> to vector<16xf32>
    %swap3A_132 = vector.shape_cast %broadcast_in_dim3A_5 : vector<16xf32> to vector<16xf32>
    tpu.vector_store %arg7[%swap3A_129], %swap3A_132 {strides = array<i32>} : memref<512xf32, #tpu.memory_space<vmem>>, vector<16xf32>,
    %mul3A_133 = arith.constant 65536 : i32
    %mul3A_134 = arith.muli %arg1, %mul3A_133 : i32
    %add3A_135 = arith.constant 0 : i32
    %add3A_136 = arith.addi %mul3A_134, %add3A_135 : i32
    "tpu.region"() ({
      %run_scoped3A = tpu.sem_alloc : memref<!tpu.dma_semaphore, #tpu.memory_space<semaphore_mem>>
      %dma_start3A_257 = tpu.memref_slice %arg4[%add3A_136] : memref<1048704xf32, #tpu.memory_space<vmem_shared>> -> memref<16384xf32, #tpu.memory_space<vmem_shared>>
      %dma_start3A_258 = tpu.memref_slice %arg4[%add3A_136] : memref<1048704xf32, #tpu.memory_space<vmem_shared>> -> memref<16384xf32, #tpu.memory_space<vmem_shared>>
      tpu.enqueue_dma source(%arg8 : memref<16384xf32, #tpu.memory_space<vmem>>) target(%dma_start3A_258 : memref<16384xf32, #tpu.memory_space<vmem_shared>>) target_semaphore(%run_scoped3A : memref<!tpu.dma_semaphore, #tpu.memory_space<semaphore_mem>>)
      %dma_wait3A = tpu.memref_slice %arg4[%add3A_136] : memref<1048704xf32, #tpu.memory_space<vmem_shared>> -> memref<16384xf32, #tpu.memory_space<vmem_shared>>
      %dma_wait3A_259 = tpu.memref_slice %arg4[%add3A_136] : memref<1048704xf32, #tpu.memory_space<vmem_shared>> -> memref<16384xf32, #tpu.memory_space<vmem_shared>>
      tpu.wait_dma2 semaphore(%run_scoped3A : memref<!tpu.dma_semaphore, #tpu.memory_space<semaphore_mem>>) src(%arg8 : memref<16384xf32, #tpu.memory_space<vmem>>) dst(%dma_wait3A_259 : memref<16384xf32, #tpu.memory_space<vmem_shared>>)
      tpu.yield
    }) : () -> ()
    %mul3A_137 = arith.constant 65536 : i32
    %mul3A_138 = arith.muli %arg1, %mul3A_137 : i32
    %add3A_139 = arith.constant 16384 : i32
    %add3A_140 = arith.addi %mul3A_138, %add3A_139 : i32
    "tpu.region"() ({
      %run_scoped3A = tpu.sem_alloc : memref<!tpu.dma_semaphore, #tpu.memory_space<semaphore_mem>>
      %dma_start3A_257 = tpu.memref_slice %arg4[%add3A_140] : memref<1048704xf32, #tpu.memory_space<vmem_shared>> -> memref<16384xf32, #tpu.memory_space<vmem_shared>>
      %dma_start3A_258 = tpu.memref_slice %arg4[%add3A_140] : memref<1048704xf32, #tpu.memory_space<vmem_shared>> -> memref<16384xf32, #tpu.memory_space<vmem_shared>>
      tpu.enqueue_dma source(%arg8 : memref<16384xf32, #tpu.memory_space<vmem>>) target(%dma_start3A_258 : memref<16384xf32, #tpu.memory_space<vmem_shared>>) target_semaphore(%run_scoped3A : memref<!tpu.dma_semaphore, #tpu.memory_space<semaphore_mem>>)
      %dma_wait3A = tpu.memref_slice %arg4[%add3A_140] : memref<1048704xf32, #tpu.memory_space<vmem_shared>> -> memref<16384xf32, #tpu.memory_space<vmem_shared>>
      %dma_wait3A_259 = tpu.memref_slice %arg4[%add3A_140] : memref<1048704xf32, #tpu.memory_space<vmem_shared>> -> memref<16384xf32, #tpu.memory_space<vmem_shared>>
      tpu.wait_dma2 semaphore(%run_scoped3A : memref<!tpu.dma_semaphore, #tpu.memory_space<semaphore_mem>>) src(%arg8 : memref<16384xf32, #tpu.memory_space<vmem>>) dst(%dma_wait3A_259 : memref<16384xf32, #tpu.memory_space<vmem_shared>>)
      tpu.yield
    }) : () -> ()
    %mul3A_141 = arith.constant 65536 : i32
    %mul3A_142 = arith.muli %arg1, %mul3A_141 : i32
    %add3A_143 = arith.constant 32768 : i32
    %add3A_144 = arith.addi %mul3A_142, %add3A_143 : i32
    "tpu.region"() ({
      %run_scoped3A = tpu.sem_alloc : memref<!tpu.dma_semaphore, #tpu.memory_space<semaphore_mem>>
      %dma_start3A_257 = tpu.memref_slice %arg4[%add3A_144] : memref<1048704xf32, #tpu.memory_space<vmem_shared>> -> memref<16384xf32, #tpu.memory_space<vmem_shared>>
      %dma_start3A_258 = tpu.memref_slice %arg4[%add3A_144] : memref<1048704xf32, #tpu.memory_space<vmem_shared>> -> memref<16384xf32, #tpu.memory_space<vmem_shared>>
      tpu.enqueue_dma source(%arg8 : memref<16384xf32, #tpu.memory_space<vmem>>) target(%dma_start3A_258 : memref<16384xf32, #tpu.memory_space<vmem_shared>>) target_semaphore(%run_scoped3A : memref<!tpu.dma_semaphore, #tpu.memory_space<semaphore_mem>>)
      %dma_wait3A = tpu.memref_slice %arg4[%add3A_144] : memref<1048704xf32, #tpu.memory_space<vmem_shared>> -> memref<16384xf32, #tpu.memory_space<vmem_shared>>
      %dma_wait3A_259 = tpu.memref_slice %arg4[%add3A_144] : memref<1048704xf32, #tpu.memory_space<vmem_shared>> -> memref<16384xf32, #tpu.memory_space<vmem_shared>>
      tpu.wait_dma2 semaphore(%run_scoped3A : memref<!tpu.dma_semaphore, #tpu.memory_space<semaphore_mem>>) src(%arg8 : memref<16384xf32, #tpu.memory_space<vmem>>) dst(%dma_wait3A_259 : memref<16384xf32, #tpu.memory_space<vmem_shared>>)
      tpu.yield
    }) : () -> ()
    %mul3A_145 = arith.constant 65536 : i32
    %mul3A_146 = arith.muli %arg1, %mul3A_145 : i32
    %add3A_147 = arith.constant 49152 : i32
    %add3A_148 = arith.addi %mul3A_146, %add3A_147 : i32
    "tpu.region"() ({
      %run_scoped3A = tpu.sem_alloc : memref<!tpu.dma_semaphore, #tpu.memory_space<semaphore_mem>>
      %dma_start3A_257 = tpu.memref_slice %arg4[%add3A_148] : memref<1048704xf32, #tpu.memory_space<vmem_shared>> -> memref<16384xf32, #tpu.memory_space<vmem_shared>>
      %dma_start3A_258 = tpu.memref_slice %arg4[%add3A_148] : memref<1048704xf32, #tpu.memory_space<vmem_shared>> -> memref<16384xf32, #tpu.memory_space<vmem_shared>>
      tpu.enqueue_dma source(%arg8 : memref<16384xf32, #tpu.memory_space<vmem>>) target(%dma_start3A_258 : memref<16384xf32, #tpu.memory_space<vmem_shared>>) target_semaphore(%run_scoped3A : memref<!tpu.dma_semaphore, #tpu.memory_space<semaphore_mem>>)
      %dma_wait3A = tpu.memref_slice %arg4[%add3A_148] : memref<1048704xf32, #tpu.memory_space<vmem_shared>> -> memref<16384xf32, #tpu.memory_space<vmem_shared>>
      %dma_wait3A_259 = tpu.memref_slice %arg4[%add3A_148] : memref<1048704xf32, #tpu.memory_space<vmem_shared>> -> memref<16384xf32, #tpu.memory_space<vmem_shared>>
      tpu.wait_dma2 semaphore(%run_scoped3A : memref<!tpu.dma_semaphore, #tpu.memory_space<semaphore_mem>>) src(%arg8 : memref<16384xf32, #tpu.memory_space<vmem>>) dst(%dma_wait3A_259 : memref<16384xf32, #tpu.memory_space<vmem_shared>>)
      tpu.yield
    }) : () -> ()
    %mul3A_149 = arith.constant 2 : i32
    %mul3A_150 = arith.muli %mul3A_149, %arg1 : i32
    %add3A_151 = arith.constant 0 : i32
    %add3A_152 = arith.addi %mul3A_150, %add3A_151 : i32
    %jit3A = arith.constant 4 : i32
    %div3A = arith.divsi %add3A_152, %jit3A : i32
    %sign3A = arith.constant 0 : i32
    %sign3A_153 = arith.cmpi sgt, %add3A_152, %sign3A : i32
    %sign3A_154 = arith.extui %sign3A_153 : i1 to i32
    %sign3A_155 = arith.constant 0 : i32
    %sign3A_156 = arith.cmpi slt, %add3A_152, %sign3A_155 : i32
    %sign3A_157 = arith.extui %sign3A_156 : i1 to i32
    %sign3A_158 = arith.subi %sign3A_154, %sign3A_157 : i32
    %sign3A_159 = arith.constant 0 : i32
    %sign3A_160 = arith.cmpi sgt, %jit3A, %sign3A_159 : i32
    %sign3A_161 = arith.extui %sign3A_160 : i1 to i32
    %sign3A_162 = arith.constant 0 : i32
    %sign3A_163 = arith.cmpi slt, %jit3A, %sign3A_162 : i32
    %sign3A_164 = arith.extui %sign3A_163 : i1 to i32
    %sign3A_165 = arith.subi %sign3A_161, %sign3A_164 : i32
    %ne3A = arith.cmpi ne, %sign3A_158, %sign3A_165 : i32
    %rem3A = arith.remsi %add3A_152, %jit3A : i32
    %ne3A_166 = arith.constant 0 : i32
    %ne3A_167 = arith.cmpi ne, %rem3A, %ne3A_166 : i32
    %and3A = arith.andi %ne3A, %ne3A_167 : i1
    %sub3A = arith.constant 1 : i32
    %sub3A_168 = arith.subi %div3A, %sub3A : i32
    %select_n3A = arith.select %and3A, %sub3A_168, %div3A : i32
    %mul3A_169 = arith.constant 262144 : i32
    %mul3A_170 = arith.muli %select_n3A, %mul3A_169 : i32
    %mul3A_171 = arith.constant 4 : i32
    %mul3A_172 = arith.muli %arg0, %mul3A_171 : i32
    %jit3A_173 = arith.constant 4 : i32
    %eq3A = arith.constant 0 : i32
    %eq3A_174 = arith.cmpi eq, %jit3A_173, %eq3A : i32
    %jit3A_175 = arith.constant 1 : i32
    %select_n3A_176 = arith.select %eq3A_174, %jit3A_175, %jit3A_173 : i32
    %rem3A_177 = arith.remsi %add3A_152, %select_n3A_176 : i32
    %ne3A_178 = arith.constant 0 : i32
    %ne3A_179 = arith.cmpi ne, %rem3A_177, %ne3A_178 : i32
    %lt3A = arith.constant 0 : i32
    %lt3A_180 = arith.cmpi slt, %rem3A_177, %lt3A : i32
    %lt3A_181 = arith.constant 0 : i32
    %lt3A_182 = arith.cmpi slt, %select_n3A_176, %lt3A_181 : i32
    %ne3A_183 = arith.xori %lt3A_180, %lt3A_182 : i1
    %and3A_184 = arith.andi %ne3A_183, %ne3A_179 : i1
    %add3A_185 = arith.addi %rem3A_177, %select_n3A_176 : i32
    %select_n3A_186 = arith.select %and3A_184, %add3A_185, %rem3A_177 : i32
    %add3A_187 = arith.addi %mul3A_172, %select_n3A_186 : i32
    %mul3A_188 = arith.constant 32768 : i32
    %mul3A_189 = arith.muli %add3A_187, %mul3A_188 : i32
    %add3A_190 = arith.addi %mul3A_170, %mul3A_189 : i32
    %add3A_191 = arith.constant 0 : i32
    %add3A_192 = arith.addi %add3A_190, %add3A_191 : i32
    %dma_start3A = tpu.memref_slice %arg2[%add3A_192] : memref<2097152xi32, #tpu.memory_space<hbm>> -> memref<4096xi32, #tpu.memory_space<hbm>>
    %dma_start3A_193 = tpu.memref_slice %arg2[%add3A_192] : memref<2097152xi32, #tpu.memory_space<hbm>> -> memref<4096xi32, #tpu.memory_space<hbm>>
    tpu.enqueue_dma source(%dma_start3A_193 : memref<4096xi32, #tpu.memory_space<hbm>>) target(%arg5 : memref<4096xi32, #tpu.memory_space<vmem>>) target_semaphore(%arg10 : memref<!tpu.dma_semaphore, #tpu.memory_space<semaphore_mem>>)
    %barrier3A = arith.constant 0 : index
    tpu.barrier barrier_id(%barrier3A)
    %scan3A = arith.constant 0 : i32
    %scan3A_194 = arith.constant 0 : i32
    %scan3A_195 = arith.constant 8 : i32
    %scan3A_196 = arith.addi %scan3A_194, %scan3A_195 : i32
    %scan3A_197 = arith.constant 1 : i32
    %scan3A_198 = scf.for %scan3A_257 = %scan3A_194 to %scan3A_196 step %scan3A_197 iter_args(%scan3A_258 = %scan3A) -> (i32)  : i32 {
      %mul3A_259 = arith.constant 2 : i32
      %mul3A_260 = arith.muli %mul3A_259, %scan3A_257 : i32
      %mul3A_261 = arith.constant 2 : i32
      %mul3A_262 = arith.muli %mul3A_261, %arg1 : i32
      %jit3A_263 = arith.constant 8 : i32
      %div3A_264 = arith.divsi %mul3A_260, %jit3A_263 : i32
      %sign3A_265 = arith.constant 0 : i32
      %sign3A_266 = arith.cmpi sgt, %mul3A_260, %sign3A_265 : i32
      %sign3A_267 = arith.extui %sign3A_266 : i1 to i32
      %sign3A_268 = arith.constant 0 : i32
      %sign3A_269 = arith.cmpi slt, %mul3A_260, %sign3A_268 : i32
      %sign3A_270 = arith.extui %sign3A_269 : i1 to i32
      %sign3A_271 = arith.subi %sign3A_267, %sign3A_270 : i32
      %sign3A_272 = arith.constant 0 : i32
      %sign3A_273 = arith.cmpi sgt, %jit3A_263, %sign3A_272 : i32
      %sign3A_274 = arith.extui %sign3A_273 : i1 to i32
      %sign3A_275 = arith.constant 0 : i32
      %sign3A_276 = arith.cmpi slt, %jit3A_263, %sign3A_275 : i32
      %sign3A_277 = arith.extui %sign3A_276 : i1 to i32
      %sign3A_278 = arith.subi %sign3A_274, %sign3A_277 : i32
      %ne3A_279 = arith.cmpi ne, %sign3A_271, %sign3A_278 : i32
      %rem3A_280 = arith.remsi %mul3A_260, %jit3A_263 : i32
      %ne3A_281 = arith.constant 0 : i32
      %ne3A_282 = arith.cmpi ne, %rem3A_280, %ne3A_281 : i32
      %and3A_283 = arith.andi %ne3A_279, %ne3A_282 : i1
      %sub3A_284 = arith.constant 1 : i32
      %sub3A_285 = arith.subi %div3A_264, %sub3A_284 : i32
      %select_n3A_286 = arith.select %and3A_283, %sub3A_285, %div3A_264 : i32
      %add3A_287 = arith.addi %mul3A_262, %select_n3A_286 : i32
      %jit3A_288 = arith.constant 4 : i32
      %div3A_289 = arith.divsi %add3A_287, %jit3A_288 : i32
      %sign3A_290 = arith.constant 0 : i32
      %sign3A_291 = arith.cmpi sgt, %add3A_287, %sign3A_290 : i32
      %sign3A_292 = arith.extui %sign3A_291 : i1 to i32
      %sign3A_293 = arith.constant 0 : i32
      %sign3A_294 = arith.cmpi slt, %add3A_287, %sign3A_293 : i32
      %sign3A_295 = arith.extui %sign3A_294 : i1 to i32
      %sign3A_296 = arith.subi %sign3A_292, %sign3A_295 : i32
      %sign3A_297 = arith.constant 0 : i32
      %sign3A_298 = arith.cmpi sgt, %jit3A_288, %sign3A_297 : i32
      %sign3A_299 = arith.extui %sign3A_298 : i1 to i32
      %sign3A_300 = arith.constant 0 : i32
      %sign3A_301 = arith.cmpi slt, %jit3A_288, %sign3A_300 : i32
      %sign3A_302 = arith.extui %sign3A_301 : i1 to i32
      %sign3A_303 = arith.subi %sign3A_299, %sign3A_302 : i32
      %ne3A_304 = arith.cmpi ne, %sign3A_296, %sign3A_303 : i32
      %rem3A_305 = arith.remsi %add3A_287, %jit3A_288 : i32
      %ne3A_306 = arith.constant 0 : i32
      %ne3A_307 = arith.cmpi ne, %rem3A_305, %ne3A_306 : i32
      %and3A_308 = arith.andi %ne3A_304, %ne3A_307 : i1
      %sub3A_309 = arith.constant 1 : i32
      %sub3A_310 = arith.subi %div3A_289, %sub3A_309 : i32
      %select_n3A_311 = arith.select %and3A_308, %sub3A_310, %div3A_289 : i32
      %mul3A_312 = arith.constant 262144 : i32
      %mul3A_313 = arith.muli %select_n3A_311, %mul3A_312 : i32
      %mul3A_314 = arith.constant 4 : i32
      %mul3A_315 = arith.muli %arg0, %mul3A_314 : i32
      %jit3A_316 = arith.constant 4 : i32
      %eq3A_317 = arith.constant 0 : i32
      %eq3A_318 = arith.cmpi eq, %jit3A_316, %eq3A_317 : i32
      %jit3A_319 = arith.constant 1 : i32
      %select_n3A_320 = arith.select %eq3A_318, %jit3A_319, %jit3A_316 : i32
      %rem3A_321 = arith.remsi %add3A_287, %select_n3A_320 : i32
      %ne3A_322 = arith.constant 0 : i32
      %ne3A_323 = arith.cmpi ne, %rem3A_321, %ne3A_322 : i32
      %lt3A_324 = arith.constant 0 : i32
      %lt3A_325 = arith.cmpi slt, %rem3A_321, %lt3A_324 : i32
      %lt3A_326 = arith.constant 0 : i32
      %lt3A_327 = arith.cmpi slt, %select_n3A_320, %lt3A_326 : i32
      %ne3A_328 = arith.xori %lt3A_325, %lt3A_327 : i1
      %and3A_329 = arith.andi %ne3A_328, %ne3A_323 : i1
      %add3A_330 = arith.addi %rem3A_321, %select_n3A_320 : i32
      %select_n3A_331 = arith.select %and3A_329, %add3A_330, %rem3A_321 : i32
      %add3A_332 = arith.addi %mul3A_315, %select_n3A_331 : i32
      %mul3A_333 = arith.constant 32768 : i32
      %mul3A_334 = arith.muli %add3A_332, %mul3A_333 : i32
      %add3A_335 = arith.addi %mul3A_313, %mul3A_334 : i32
      %jit3A_336 = arith.constant 8 : i32
      %eq3A_337 = arith.constant 0 : i32
      %eq3A_338 = arith.cmpi eq, %jit3A_336, %eq3A_337 : i32
      %jit3A_339 = arith.constant 1 : i32
      %select_n3A_340 = arith.select %eq3A_338, %jit3A_339, %jit3A_336 : i32
      %rem3A_341 = arith.remsi %mul3A_260, %select_n3A_340 : i32
      %ne3A_342 = arith.constant 0 : i32
      %ne3A_343 = arith.cmpi ne, %rem3A_341, %ne3A_342 : i32
      %lt3A_344 = arith.constant 0 : i32
      %lt3A_345 = arith.cmpi slt, %rem3A_341, %lt3A_344 : i32
      %lt3A_346 = arith.constant 0 : i32
      %lt3A_347 = arith.cmpi slt, %select_n3A_340, %lt3A_346 : i32
      %ne3A_348 = arith.xori %lt3A_345, %lt3A_347 : i1
      %and3A_349 = arith.andi %ne3A_348, %ne3A_343 : i1
      %add3A_350 = arith.addi %rem3A_341, %select_n3A_340 : i32
      %select_n3A_351 = arith.select %and3A_349, %add3A_350, %rem3A_341 : i32
      %mul3A_352 = arith.constant 4096 : i32
      %mul3A_353 = arith.muli %select_n3A_351, %mul3A_352 : i32
      %add3A_354 = arith.addi %add3A_335, %mul3A_353 : i32
      %dma_wait3A = tpu.memref_slice %arg2[%add3A_354] : memref<2097152xi32, #tpu.memory_space<hbm>> -> memref<4096xi32, #tpu.memory_space<hbm>>
      %dma_wait3A_355 = tpu.memref_slice %arg2[%add3A_354] : memref<2097152xi32, #tpu.memory_space<hbm>> -> memref<4096xi32, #tpu.memory_space<hbm>>
      tpu.wait_dma2 semaphore(%arg10 : memref<!tpu.dma_semaphore, #tpu.memory_space<semaphore_mem>>) src(%dma_wait3A_355 : memref<4096xi32, #tpu.memory_space<hbm>>) dst(%arg5 : memref<4096xi32, #tpu.memory_space<vmem>>)
      %mul3A_356 = arith.constant 2 : i32
      %mul3A_357 = arith.muli %mul3A_356, %scan3A_257 : i32
      %add3A_358 = arith.constant 1 : i32
      %add3A_359 = arith.addi %mul3A_357, %add3A_358 : i32
      %mul3A_360 = arith.constant 2 : i32
      %mul3A_361 = arith.muli %mul3A_360, %arg1 : i32
      %jit3A_362 = arith.constant 8 : i32
      %div3A_363 = arith.divsi %add3A_359, %jit3A_362 : i32
      %sign3A_364 = arith.constant 0 : i32
      %sign3A_365 = arith.cmpi sgt, %add3A_359, %sign3A_364 : i32
      %sign3A_366 = arith.extui %sign3A_365 : i1 to i32
      %sign3A_367 = arith.constant 0 : i32
      %sign3A_368 = arith.cmpi slt, %add3A_359, %sign3A_367 : i32
      %sign3A_369 = arith.extui %sign3A_368 : i1 to i32
      %sign3A_370 = arith.subi %sign3A_366, %sign3A_369 : i32
      %sign3A_371 = arith.constant 0 : i32
      %sign3A_372 = arith.cmpi sgt, %jit3A_362, %sign3A_371 : i32
      %sign3A_373 = arith.extui %sign3A_372 : i1 to i32
      %sign3A_374 = arith.constant 0 : i32
      %sign3A_375 = arith.cmpi slt, %jit3A_362, %sign3A_374 : i32
      %sign3A_376 = arith.extui %sign3A_375 : i1 to i32
      %sign3A_377 = arith.subi %sign3A_373, %sign3A_376 : i32
      %ne3A_378 = arith.cmpi ne, %sign3A_370, %sign3A_377 : i32
      %rem3A_379 = arith.remsi %add3A_359, %jit3A_362 : i32
      %ne3A_380 = arith.constant 0 : i32
      %ne3A_381 = arith.cmpi ne, %rem3A_379, %ne3A_380 : i32
      %and3A_382 = arith.andi %ne3A_378, %ne3A_381 : i1
      %sub3A_383 = arith.constant 1 : i32
      %sub3A_384 = arith.subi %div3A_363, %sub3A_383 : i32
      %select_n3A_385 = arith.select %and3A_382, %sub3A_384, %div3A_363 : i32
      %add3A_386 = arith.addi %mul3A_361, %select_n3A_385 : i32
      %jit3A_387 = arith.constant 4 : i32
      %div3A_388 = arith.divsi %add3A_386, %jit3A_387 : i32
      %sign3A_389 = arith.constant 0 : i32
      %sign3A_390 = arith.cmpi sgt, %add3A_386, %sign3A_389 : i32
      %sign3A_391 = arith.extui %sign3A_390 : i1 to i32
      %sign3A_392 = arith.constant 0 : i32
      %sign3A_393 = arith.cmpi slt, %add3A_386, %sign3A_392 : i32
      %sign3A_394 = arith.extui %sign3A_393 : i1 to i32
      %sign3A_395 = arith.subi %sign3A_391, %sign3A_394 : i32
      %sign3A_396 = arith.constant 0 : i32
      %sign3A_397 = arith.cmpi sgt, %jit3A_387, %sign3A_396 : i32
      %sign3A_398 = arith.extui %sign3A_397 : i1 to i32
      %sign3A_399 = arith.constant 0 : i32
      %sign3A_400 = arith.cmpi slt, %jit3A_387, %sign3A_399 : i32
      %sign3A_401 = arith.extui %sign3A_400 : i1 to i32
      %sign3A_402 = arith.subi %sign3A_398, %sign3A_401 : i32
      %ne3A_403 = arith.cmpi ne, %sign3A_395, %sign3A_402 : i32
      %rem3A_404 = arith.remsi %add3A_386, %jit3A_387 : i32
      %ne3A_405 = arith.constant 0 : i32
      %ne3A_406 = arith.cmpi ne, %rem3A_404, %ne3A_405 : i32
      %and3A_407 = arith.andi %ne3A_403, %ne3A_406 : i1
      %sub3A_408 = arith.constant 1 : i32
      %sub3A_409 = arith.subi %div3A_388, %sub3A_408 : i32
      %select_n3A_410 = arith.select %and3A_407, %sub3A_409, %div3A_388 : i32
      %mul3A_411 = arith.constant 262144 : i32
      %mul3A_412 = arith.muli %select_n3A_410, %mul3A_411 : i32
      %mul3A_413 = arith.constant 4 : i32
      %mul3A_414 = arith.muli %arg0, %mul3A_413 : i32
      %jit3A_415 = arith.constant 4 : i32
      %eq3A_416 = arith.constant 0 : i32
      %eq3A_417 = arith.cmpi eq, %jit3A_415, %eq3A_416 : i32
      %jit3A_418 = arith.constant 1 : i32
      %select_n3A_419 = arith.select %eq3A_417, %jit3A_418, %jit3A_415 : i32
      %rem3A_420 = arith.remsi %add3A_386, %select_n3A_419 : i32
      %ne3A_421 = arith.constant 0 : i32
      %ne3A_422 = arith.cmpi ne, %rem3A_420, %ne3A_421 : i32
      %lt3A_423 = arith.constant 0 : i32
      %lt3A_424 = arith.cmpi slt, %rem3A_420, %lt3A_423 : i32
      %lt3A_425 = arith.constant 0 : i32
      %lt3A_426 = arith.cmpi slt, %select_n3A_419, %lt3A_425 : i32
      %ne3A_427 = arith.xori %lt3A_424, %lt3A_426 : i1
      %and3A_428 = arith.andi %ne3A_427, %ne3A_422 : i1
      %add3A_429 = arith.addi %rem3A_420, %select_n3A_419 : i32
      %select_n3A_430 = arith.select %and3A_428, %add3A_429, %rem3A_420 : i32
      %add3A_431 = arith.addi %mul3A_414, %select_n3A_430 : i32
      %mul3A_432 = arith.constant 32768 : i32
      %mul3A_433 = arith.muli %add3A_431, %mul3A_432 : i32
      %add3A_434 = arith.addi %mul3A_412, %mul3A_433 : i32
      %jit3A_435 = arith.constant 8 : i32
      %eq3A_436 = arith.constant 0 : i32
      %eq3A_437 = arith.cmpi eq, %jit3A_435, %eq3A_436 : i32
      %jit3A_438 = arith.constant 1 : i32
      %select_n3A_439 = arith.select %eq3A_437, %jit3A_438, %jit3A_435 : i32
      %rem3A_440 = arith.remsi %add3A_359, %select_n3A_439 : i32
      %ne3A_441 = arith.constant 0 : i32
      %ne3A_442 = arith.cmpi ne, %rem3A_440, %ne3A_441 : i32
      %lt3A_443 = arith.constant 0 : i32
      %lt3A_444 = arith.cmpi slt, %rem3A_440, %lt3A_443 : i32
      %lt3A_445 = arith.constant 0 : i32
      %lt3A_446 = arith.cmpi slt, %select_n3A_439, %lt3A_445 : i32
      %ne3A_447 = arith.xori %lt3A_444, %lt3A_446 : i1
      %and3A_448 = arith.andi %ne3A_447, %ne3A_442 : i1
      %add3A_449 = arith.addi %rem3A_440, %select_n3A_439 : i32
      %select_n3A_450 = arith.select %and3A_448, %add3A_449, %rem3A_440 : i32
      %mul3A_451 = arith.constant 4096 : i32
      %mul3A_452 = arith.muli %select_n3A_450, %mul3A_451 : i32
      %add3A_453 = arith.addi %add3A_434, %mul3A_452 : i32
      %dma_start3A_454 = tpu.memref_slice %arg2[%add3A_453] : memref<2097152xi32, #tpu.memory_space<hbm>> -> memref<4096xi32, #tpu.memory_space<hbm>>
      %dma_start3A_455 = tpu.memref_slice %arg2[%add3A_453] : memref<2097152xi32, #tpu.memory_space<hbm>> -> memref<4096xi32, #tpu.memory_space<hbm>>
      tpu.enqueue_dma source(%dma_start3A_455 : memref<4096xi32, #tpu.memory_space<hbm>>) target(%arg6 : memref<4096xi32, #tpu.memory_space<vmem>>) target_semaphore(%arg10 : memref<!tpu.dma_semaphore, #tpu.memory_space<semaphore_mem>>)
      %dma_start3A_456 = arith.constant 0 : i32
      %dma_start3A_457 = tpu.memref_slice %arg5[%dma_start3A_456] : memref<4096xi32, #tpu.memory_space<vmem>> -> memref<512xi32, #tpu.memory_space<vmem>>
      %dma_start3A_458 = arith.constant 0 : i32
      %dma_start3A_459 = tpu.memref_slice %arg4[%dma_start3A_458] : memref<1048704xf32, #tpu.memory_space<vmem_shared>> -> memref<1048704xf32, #tpu.memory_space<vmem_shared>>
      tpu.enqueue_indirect_dma source(%arg7 : memref<512xf32, #tpu.memory_space<vmem>>) target(%dma_start3A_459 : memref<1048704xf32, #tpu.memory_space<vmem_shared>>) offsets(%dma_start3A_457 : memref<512xi32, #tpu.memory_space<vmem>>) semaphore(%arg11 : memref<!tpu.dma_semaphore, #tpu.memory_space<semaphore_mem>>)
      %dma_start3A_460 = arith.constant 512 : i32
      %dma_start3A_461 = tpu.memref_slice %arg5[%dma_start3A_460] : memref<4096xi32, #tpu.memory_space<vmem>> -> memref<512xi32, #tpu.memory_space<vmem>>
      %dma_start3A_462 = arith.constant 0 : i32
      %dma_start3A_463 = tpu.memref_slice %arg4[%dma_start3A_462] : memref<1048704xf32, #tpu.memory_space<vmem_shared>> -> memref<1048704xf32, #tpu.memory_space<vmem_shared>>
      tpu.enqueue_indirect_dma source(%arg7 : memref<512xf32, #tpu.memory_space<vmem>>) target(%dma_start3A_463 : memref<1048704xf32, #tpu.memory_space<vmem_shared>>) offsets(%dma_start3A_461 : memref<512xi32, #tpu.memory_space<vmem>>) semaphore(%arg11 : memref<!tpu.dma_semaphore, #tpu.memory_space<semaphore_mem>>)
      %dma_start3A_464 = arith.constant 1024 : i32
      %dma_start3A_465 = tpu.memref_slice %arg5[%dma_start3A_464] : memref<4096xi32, #tpu.memory_space<vmem>> -> memref<512xi32, #tpu.memory_space<vmem>>
      %dma_start3A_466 = arith.constant 0 : i32
      %dma_start3A_467 = tpu.memref_slice %arg4[%dma_start3A_466] : memref<1048704xf32, #tpu.memory_space<vmem_shared>> -> memref<1048704xf32, #tpu.memory_space<vmem_shared>>
      tpu.enqueue_indirect_dma source(%arg7 : memref<512xf32, #tpu.memory_space<vmem>>) target(%dma_start3A_467 : memref<1048704xf32, #tpu.memory_space<vmem_shared>>) offsets(%dma_start3A_465 : memref<512xi32, #tpu.memory_space<vmem>>) semaphore(%arg11 : memref<!tpu.dma_semaphore, #tpu.memory_space<semaphore_mem>>)
      %dma_start3A_468 = arith.constant 1536 : i32
      %dma_start3A_469 = tpu.memref_slice %arg5[%dma_start3A_468] : memref<4096xi32, #tpu.memory_space<vmem>> -> memref<512xi32, #tpu.memory_space<vmem>>
      %dma_start3A_470 = arith.constant 0 : i32
      %dma_start3A_471 = tpu.memref_slice %arg4[%dma_start3A_470] : memref<1048704xf32, #tpu.memory_space<vmem_shared>> -> memref<1048704xf32, #tpu.memory_space<vmem_shared>>
      tpu.enqueue_indirect_dma source(%arg7 : memref<512xf32, #tpu.memory_space<vmem>>) target(%dma_start3A_471 : memref<1048704xf32, #tpu.memory_space<vmem_shared>>) offsets(%dma_start3A_469 : memref<512xi32, #tpu.memory_space<vmem>>) semaphore(%arg11 : memref<!tpu.dma_semaphore, #tpu.memory_space<semaphore_mem>>)
      %dma_start3A_472 = arith.constant 2048 : i32
      %dma_start3A_473 = tpu.memref_slice %arg5[%dma_start3A_472] : memref<4096xi32, #tpu.memory_space<vmem>> -> memref<512xi32, #tpu.memory_space<vmem>>
      %dma_start3A_474 = arith.constant 0 : i32
      %dma_start3A_475 = tpu.memref_slice %arg4[%dma_start3A_474] : memref<1048704xf32, #tpu.memory_space<vmem_shared>> -> memref<1048704xf32, #tpu.memory_space<vmem_shared>>
      tpu.enqueue_indirect_dma source(%arg7 : memref<512xf32, #tpu.memory_space<vmem>>) target(%dma_start3A_475 : memref<1048704xf32, #tpu.memory_space<vmem_shared>>) offsets(%dma_start3A_473 : memref<512xi32, #tpu.memory_space<vmem>>) semaphore(%arg11 : memref<!tpu.dma_semaphore, #tpu.memory_space<semaphore_mem>>)
      %dma_start3A_476 = arith.constant 2560 : i32
      %dma_start3A_477 = tpu.memref_slice %arg5[%dma_start3A_476] : memref<4096xi32, #tpu.memory_space<vmem>> -> memref<512xi32, #tpu.memory_space<vmem>>
      %dma_start3A_478 = arith.constant 0 : i32
      %dma_start3A_479 = tpu.memref_slice %arg4[%dma_start3A_478] : memref<1048704xf32, #tpu.memory_space<vmem_shared>> -> memref<1048704xf32, #tpu.memory_space<vmem_shared>>
      tpu.enqueue_indirect_dma source(%arg7 : memref<512xf32, #tpu.memory_space<vmem>>) target(%dma_start3A_479 : memref<1048704xf32, #tpu.memory_space<vmem_shared>>) offsets(%dma_start3A_477 : memref<512xi32, #tpu.memory_space<vmem>>) semaphore(%arg11 : memref<!tpu.dma_semaphore, #tpu.memory_space<semaphore_mem>>)
      %dma_start3A_480 = arith.constant 3072 : i32
      %dma_start3A_481 = tpu.memref_slice %arg5[%dma_start3A_480] : memref<4096xi32, #tpu.memory_space<vmem>> -> memref<512xi32, #tpu.memory_space<vmem>>
      %dma_start3A_482 = arith.constant 0 : i32
      %dma_start3A_483 = tpu.memref_slice %arg4[%dma_start3A_482] : memref<1048704xf32, #tpu.memory_space<vmem_shared>> -> memref<1048704xf32, #tpu.memory_space<vmem_shared>>
      tpu.enqueue_indirect_dma source(%arg7 : memref<512xf32, #tpu.memory_space<vmem>>) target(%dma_start3A_483 : memref<1048704xf32, #tpu.memory_space<vmem_shared>>) offsets(%dma_start3A_481 : memref<512xi32, #tpu.memory_space<vmem>>) semaphore(%arg11 : memref<!tpu.dma_semaphore, #tpu.memory_space<semaphore_mem>>)
      %dma_start3A_484 = arith.constant 3584 : i32
      %dma_start3A_485 = tpu.memref_slice %arg5[%dma_start3A_484] : memref<4096xi32, #tpu.memory_space<vmem>> -> memref<512xi32, #tpu.memory_space<vmem>>
      %dma_start3A_486 = arith.constant 0 : i32
      %dma_start3A_487 = tpu.memref_slice %arg4[%dma_start3A_486] : memref<1048704xf32, #tpu.memory_space<vmem_shared>> -> memref<1048704xf32, #tpu.memory_space<vmem_shared>>
      tpu.enqueue_indirect_dma source(%arg7 : memref<512xf32, #tpu.memory_space<vmem>>) target(%dma_start3A_487 : memref<1048704xf32, #tpu.memory_space<vmem_shared>>) offsets(%dma_start3A_485 : memref<512xi32, #tpu.memory_space<vmem>>) semaphore(%arg11 : memref<!tpu.dma_semaphore, #tpu.memory_space<semaphore_mem>>)
      %dma_wait3A_488 = arith.constant 0 : i32
      %dma_wait3A_489 = tpu.memref_slice %arg5[%dma_wait3A_488] : memref<4096xi32, #tpu.memory_space<vmem>> -> memref<512xi32, #tpu.memory_space<vmem>>
      %dma_wait3A_490 = arith.constant 0 : i32
      %dma_wait3A_491 = tpu.memref_slice %arg4[%dma_wait3A_490] : memref<1048704xf32, #tpu.memory_space<vmem_shared>> -> memref<1048704xf32, #tpu.memory_space<vmem_shared>>
      tpu.wait_indirect_dma semaphore(%arg11 : memref<!tpu.dma_semaphore, #tpu.memory_space<semaphore_mem>>) src(%arg7 : memref<512xf32, #tpu.memory_space<vmem>>) dst(%dma_wait3A_491 : memref<1048704xf32, #tpu.memory_space<vmem_shared>>)
      %dma_wait3A_492 = arith.constant 512 : i32
      %dma_wait3A_493 = tpu.memref_slice %arg5[%dma_wait3A_492] : memref<4096xi32, #tpu.memory_space<vmem>> -> memref<512xi32, #tpu.memory_space<vmem>>
      %dma_wait3A_494 = arith.constant 0 : i32
      %dma_wait3A_495 = tpu.memref_slice %arg4[%dma_wait3A_494] : memref<1048704xf32, #tpu.memory_space<vmem_shared>> -> memref<1048704xf32, #tpu.memory_space<vmem_shared>>
      tpu.wait_indirect_dma semaphore(%arg11 : memref<!tpu.dma_semaphore, #tpu.memory_space<semaphore_mem>>) src(%arg7 : memref<512xf32, #tpu.memory_space<vmem>>) dst(%dma_wait3A_495 : memref<1048704xf32, #tpu.memory_space<vmem_shared>>)
      %dma_wait3A_496 = arith.constant 1024 : i32
      %dma_wait3A_497 = tpu.memref_slice %arg5[%dma_wait3A_496] : memref<4096xi32, #tpu.memory_space<vmem>> -> memref<512xi32, #tpu.memory_space<vmem>>
      %dma_wait3A_498 = arith.constant 0 : i32
      %dma_wait3A_499 = tpu.memref_slice %arg4[%dma_wait3A_498] : memref<1048704xf32, #tpu.memory_space<vmem_shared>> -> memref<1048704xf32, #tpu.memory_space<vmem_shared>>
      tpu.wait_indirect_dma semaphore(%arg11 : memref<!tpu.dma_semaphore, #tpu.memory_space<semaphore_mem>>) src(%arg7 : memref<512xf32, #tpu.memory_space<vmem>>) dst(%dma_wait3A_499 : memref<1048704xf32, #tpu.memory_space<vmem_shared>>)
      %dma_wait3A_500 = arith.constant 1536 : i32
      %dma_wait3A_501 = tpu.memref_slice %arg5[%dma_wait3A_500] : memref<4096xi32, #tpu.memory_space<vmem>> -> memref<512xi32, #tpu.memory_space<vmem>>
      %dma_wait3A_502 = arith.constant 0 : i32
      %dma_wait3A_503 = tpu.memref_slice %arg4[%dma_wait3A_502] : memref<1048704xf32, #tpu.memory_space<vmem_shared>> -> memref<1048704xf32, #tpu.memory_space<vmem_shared>>
      tpu.wait_indirect_dma semaphore(%arg11 : memref<!tpu.dma_semaphore, #tpu.memory_space<semaphore_mem>>) src(%arg7 : memref<512xf32, #tpu.memory_space<vmem>>) dst(%dma_wait3A_503 : memref<1048704xf32, #tpu.memory_space<vmem_shared>>)
      %dma_wait3A_504 = arith.constant 2048 : i32
      %dma_wait3A_505 = tpu.memref_slice %arg5[%dma_wait3A_504] : memref<4096xi32, #tpu.memory_space<vmem>> -> memref<512xi32, #tpu.memory_space<vmem>>
      %dma_wait3A_506 = arith.constant 0 : i32
      %dma_wait3A_507 = tpu.memref_slice %arg4[%dma_wait3A_506] : memref<1048704xf32, #tpu.memory_space<vmem_shared>> -> memref<1048704xf32, #tpu.memory_space<vmem_shared>>
      tpu.wait_indirect_dma semaphore(%arg11 : memref<!tpu.dma_semaphore, #tpu.memory_space<semaphore_mem>>) src(%arg7 : memref<512xf32, #tpu.memory_space<vmem>>) dst(%dma_wait3A_507 : memref<1048704xf32, #tpu.memory_space<vmem_shared>>)
      %dma_wait3A_508 = arith.constant 2560 : i32
      %dma_wait3A_509 = tpu.memref_slice %arg5[%dma_wait3A_508] : memref<4096xi32, #tpu.memory_space<vmem>> -> memref<512xi32, #tpu.memory_space<vmem>>
      %dma_wait3A_510 = arith.constant 0 : i32
      %dma_wait3A_511 = tpu.memref_slice %arg4[%dma_wait3A_510] : memref<1048704xf32, #tpu.memory_space<vmem_shared>> -> memref<1048704xf32, #tpu.memory_space<vmem_shared>>
      tpu.wait_indirect_dma semaphore(%arg11 : memref<!tpu.dma_semaphore, #tpu.memory_space<semaphore_mem>>) src(%arg7 : memref<512xf32, #tpu.memory_space<vmem>>) dst(%dma_wait3A_511 : memref<1048704xf32, #tpu.memory_space<vmem_shared>>)
      %dma_wait3A_512 = arith.constant 3072 : i32
      %dma_wait3A_513 = tpu.memref_slice %arg5[%dma_wait3A_512] : memref<4096xi32, #tpu.memory_space<vmem>> -> memref<512xi32, #tpu.memory_space<vmem>>
      %dma_wait3A_514 = arith.constant 0 : i32
      %dma_wait3A_515 = tpu.memref_slice %arg4[%dma_wait3A_514] : memref<1048704xf32, #tpu.memory_space<vmem_shared>> -> memref<1048704xf32, #tpu.memory_space<vmem_shared>>
      tpu.wait_indirect_dma semaphore(%arg11 : memref<!tpu.dma_semaphore, #tpu.memory_space<semaphore_mem>>) src(%arg7 : memref<512xf32, #tpu.memory_space<vmem>>) dst(%dma_wait3A_515 : memref<1048704xf32, #tpu.memory_space<vmem_shared>>)
      %dma_wait3A_516 = arith.constant 3584 : i32
      %dma_wait3A_517 = tpu.memref_slice %arg5[%dma_wait3A_516] : memref<4096xi32, #tpu.memory_space<vmem>> -> memref<512xi32, #tpu.memory_space<vmem>>
      %dma_wait3A_518 = arith.constant 0 : i32
      %dma_wait3A_519 = tpu.memref_slice %arg4[%dma_wait3A_518] : memref<1048704xf32, #tpu.memory_space<vmem_shared>> -> memref<1048704xf32, #tpu.memory_space<vmem_shared>>
      tpu.wait_indirect_dma semaphore(%arg11 : memref<!tpu.dma_semaphore, #tpu.memory_space<semaphore_mem>>) src(%arg7 : memref<512xf32, #tpu.memory_space<vmem>>) dst(%dma_wait3A_519 : memref<1048704xf32, #tpu.memory_space<vmem_shared>>)
      %mul3A_520 = arith.constant 2 : i32
      %mul3A_521 = arith.muli %mul3A_520, %scan3A_257 : i32
      %add3A_522 = arith.constant 1 : i32
      %add3A_523 = arith.addi %mul3A_521, %add3A_522 : i32
      %mul3A_524 = arith.constant 2 : i32
      %mul3A_525 = arith.muli %mul3A_524, %arg1 : i32
      %jit3A_526 = arith.constant 8 : i32
      %div3A_527 = arith.divsi %add3A_523, %jit3A_526 : i32
      %sign3A_528 = arith.constant 0 : i32
      %sign3A_529 = arith.cmpi sgt, %add3A_523, %sign3A_528 : i32
      %sign3A_530 = arith.extui %sign3A_529 : i1 to i32
      %sign3A_531 = arith.constant 0 : i32
      %sign3A_532 = arith.cmpi slt, %add3A_523, %sign3A_531 : i32
      %sign3A_533 = arith.extui %sign3A_532 : i1 to i32
      %sign3A_534 = arith.subi %sign3A_530, %sign3A_533 : i32
      %sign3A_535 = arith.constant 0 : i32
      %sign3A_536 = arith.cmpi sgt, %jit3A_526, %sign3A_535 : i32
      %sign3A_537 = arith.extui %sign3A_536 : i1 to i32
      %sign3A_538 = arith.constant 0 : i32
      %sign3A_539 = arith.cmpi slt, %jit3A_526, %sign3A_538 : i32
      %sign3A_540 = arith.extui %sign3A_539 : i1 to i32
      %sign3A_541 = arith.subi %sign3A_537, %sign3A_540 : i32
      %ne3A_542 = arith.cmpi ne, %sign3A_534, %sign3A_541 : i32
      %rem3A_543 = arith.remsi %add3A_523, %jit3A_526 : i32
      %ne3A_544 = arith.constant 0 : i32
      %ne3A_545 = arith.cmpi ne, %rem3A_543, %ne3A_544 : i32
      %and3A_546 = arith.andi %ne3A_542, %ne3A_545 : i1
      %sub3A_547 = arith.constant 1 : i32
      %sub3A_548 = arith.subi %div3A_527, %sub3A_547 : i32
      %select_n3A_549 = arith.select %and3A_546, %sub3A_548, %div3A_527 : i32
      %add3A_550 = arith.addi %mul3A_525, %select_n3A_549 : i32
      %jit3A_551 = arith.constant 4 : i32
      %div3A_552 = arith.divsi %add3A_550, %jit3A_551 : i32
      %sign3A_553 = arith.constant 0 : i32
      %sign3A_554 = arith.cmpi sgt, %add3A_550, %sign3A_553 : i32
      %sign3A_555 = arith.extui %sign3A_554 : i1 to i32
      %sign3A_556 = arith.constant 0 : i32
      %sign3A_557 = arith.cmpi slt, %add3A_550, %sign3A_556 : i32
      %sign3A_558 = arith.extui %sign3A_557 : i1 to i32
      %sign3A_559 = arith.subi %sign3A_555, %sign3A_558 : i32
      %sign3A_560 = arith.constant 0 : i32
      %sign3A_561 = arith.cmpi sgt, %jit3A_551, %sign3A_560 : i32
      %sign3A_562 = arith.extui %sign3A_561 : i1 to i32
      %sign3A_563 = arith.constant 0 : i32
      %sign3A_564 = arith.cmpi slt, %jit3A_551, %sign3A_563 : i32
      %sign3A_565 = arith.extui %sign3A_564 : i1 to i32
      %sign3A_566 = arith.subi %sign3A_562, %sign3A_565 : i32
      %ne3A_567 = arith.cmpi ne, %sign3A_559, %sign3A_566 : i32
      %rem3A_568 = arith.remsi %add3A_550, %jit3A_551 : i32
      %ne3A_569 = arith.constant 0 : i32
      %ne3A_570 = arith.cmpi ne, %rem3A_568, %ne3A_569 : i32
      %and3A_571 = arith.andi %ne3A_567, %ne3A_570 : i1
      %sub3A_572 = arith.constant 1 : i32
      %sub3A_573 = arith.subi %div3A_552, %sub3A_572 : i32
      %select_n3A_574 = arith.select %and3A_571, %sub3A_573, %div3A_552 : i32
      %mul3A_575 = arith.constant 262144 : i32
      %mul3A_576 = arith.muli %select_n3A_574, %mul3A_575 : i32
      %mul3A_577 = arith.constant 4 : i32
      %mul3A_578 = arith.muli %arg0, %mul3A_577 : i32
      %jit3A_579 = arith.constant 4 : i32
      %eq3A_580 = arith.constant 0 : i32
      %eq3A_581 = arith.cmpi eq, %jit3A_579, %eq3A_580 : i32
      %jit3A_582 = arith.constant 1 : i32
      %select_n3A_583 = arith.select %eq3A_581, %jit3A_582, %jit3A_579 : i32
      %rem3A_584 = arith.remsi %add3A_550, %select_n3A_583 : i32
      %ne3A_585 = arith.constant 0 : i32
      %ne3A_586 = arith.cmpi ne, %rem3A_584, %ne3A_585 : i32
      %lt3A_587 = arith.constant 0 : i32
      %lt3A_588 = arith.cmpi slt, %rem3A_584, %lt3A_587 : i32
      %lt3A_589 = arith.constant 0 : i32
      %lt3A_590 = arith.cmpi slt, %select_n3A_583, %lt3A_589 : i32
      %ne3A_591 = arith.xori %lt3A_588, %lt3A_590 : i1
      %and3A_592 = arith.andi %ne3A_591, %ne3A_586 : i1
      %add3A_593 = arith.addi %rem3A_584, %select_n3A_583 : i32
      %select_n3A_594 = arith.select %and3A_592, %add3A_593, %rem3A_584 : i32
      %add3A_595 = arith.addi %mul3A_578, %select_n3A_594 : i32
      %mul3A_596 = arith.constant 32768 : i32
      %mul3A_597 = arith.muli %add3A_595, %mul3A_596 : i32
      %add3A_598 = arith.addi %mul3A_576, %mul3A_597 : i32
      %jit3A_599 = arith.constant 8 : i32
      %eq3A_600 = arith.constant 0 : i32
      %eq3A_601 = arith.cmpi eq, %jit3A_599, %eq3A_600 : i32
      %jit3A_602 = arith.constant 1 : i32
      %select_n3A_603 = arith.select %eq3A_601, %jit3A_602, %jit3A_599 : i32
      %rem3A_604 = arith.remsi %add3A_523, %select_n3A_603 : i32
      %ne3A_605 = arith.constant 0 : i32
      %ne3A_606 = arith.cmpi ne, %rem3A_604, %ne3A_605 : i32
      %lt3A_607 = arith.constant 0 : i32
      %lt3A_608 = arith.cmpi slt, %rem3A_604, %lt3A_607 : i32
      %lt3A_609 = arith.constant 0 : i32
      %lt3A_610 = arith.cmpi slt, %select_n3A_603, %lt3A_609 : i32
      %ne3A_611 = arith.xori %lt3A_608, %lt3A_610 : i1
      %and3A_612 = arith.andi %ne3A_611, %ne3A_606 : i1
      %add3A_613 = arith.addi %rem3A_604, %select_n3A_603 : i32
      %select_n3A_614 = arith.select %and3A_612, %add3A_613, %rem3A_604 : i32
      %mul3A_615 = arith.constant 4096 : i32
      %mul3A_616 = arith.muli %select_n3A_614, %mul3A_615 : i32
      %add3A_617 = arith.addi %add3A_598, %mul3A_616 : i32
      %dma_wait3A_618 = tpu.memref_slice %arg2[%add3A_617] : memref<2097152xi32, #tpu.memory_space<hbm>> -> memref<4096xi32, #tpu.memory_space<hbm>>
      %dma_wait3A_619 = tpu.memref_slice %arg2[%add3A_617] : memref<2097152xi32, #tpu.memory_space<hbm>> -> memref<4096xi32, #tpu.memory_space<hbm>>
      tpu.wait_dma2 semaphore(%arg10 : memref<!tpu.dma_semaphore, #tpu.memory_space<semaphore_mem>>) src(%dma_wait3A_619 : memref<4096xi32, #tpu.memory_space<hbm>>) dst(%arg6 : memref<4096xi32, #tpu.memory_space<vmem>>)
      %add3A_620 = arith.constant 1 : i32
      %add3A_621 = arith.addi %scan3A_257, %add3A_620 : i32
      %lt3A_622 = arith.constant 8 : i32
      %lt3A_623 = arith.cmpi slt, %add3A_621, %lt3A_622 : i32
      %convert_element_type3A = arith.extui %lt3A_623 : i1 to i32
      %cond3A = arith.constant 0 : i32
      %cond3A_624 = arith.cmpi ne, %convert_element_type3A, %cond3A : i32
      scf.if %cond3A_624 {
        %mul3A_690 = arith.constant 2 : i32
        %mul3A_691 = arith.muli %mul3A_690, %scan3A_257 : i32
        %add3A_692 = arith.constant 2 : i32
        %add3A_693 = arith.addi %mul3A_691, %add3A_692 : i32
        %mul3A_694 = arith.constant 2 : i32
        %mul3A_695 = arith.muli %mul3A_694, %arg1 : i32
        %jit3A_696 = arith.constant 8 : i32
        %div3A_697 = arith.divsi %add3A_693, %jit3A_696 : i32
        %sign3A_698 = arith.constant 0 : i32
        %sign3A_699 = arith.cmpi sgt, %add3A_693, %sign3A_698 : i32
        %sign3A_700 = arith.extui %sign3A_699 : i1 to i32
        %sign3A_701 = arith.constant 0 : i32
        %sign3A_702 = arith.cmpi slt, %add3A_693, %sign3A_701 : i32
        %sign3A_703 = arith.extui %sign3A_702 : i1 to i32
        %sign3A_704 = arith.subi %sign3A_700, %sign3A_703 : i32
        %sign3A_705 = arith.constant 0 : i32
        %sign3A_706 = arith.cmpi sgt, %jit3A_696, %sign3A_705 : i32
        %sign3A_707 = arith.extui %sign3A_706 : i1 to i32
        %sign3A_708 = arith.constant 0 : i32
        %sign3A_709 = arith.cmpi slt, %jit3A_696, %sign3A_708 : i32
        %sign3A_710 = arith.extui %sign3A_709 : i1 to i32
        %sign3A_711 = arith.subi %sign3A_707, %sign3A_710 : i32
        %ne3A_712 = arith.cmpi ne, %sign3A_704, %sign3A_711 : i32
        %rem3A_713 = arith.remsi %add3A_693, %jit3A_696 : i32
        %ne3A_714 = arith.constant 0 : i32
        %ne3A_715 = arith.cmpi ne, %rem3A_713, %ne3A_714 : i32
        %and3A_716 = arith.andi %ne3A_712, %ne3A_715 : i1
        %sub3A_717 = arith.constant 1 : i32
        %sub3A_718 = arith.subi %div3A_697, %sub3A_717 : i32
        %select_n3A_719 = arith.select %and3A_716, %sub3A_718, %div3A_697 : i32
        %add3A_720 = arith.addi %mul3A_695, %select_n3A_719 : i32
        %jit3A_721 = arith.constant 4 : i32
        %div3A_722 = arith.divsi %add3A_720, %jit3A_721 : i32
        %sign3A_723 = arith.constant 0 : i32
        %sign3A_724 = arith.cmpi sgt, %add3A_720, %sign3A_723 : i32
        %sign3A_725 = arith.extui %sign3A_724 : i1 to i32
        %sign3A_726 = arith.constant 0 : i32
        %sign3A_727 = arith.cmpi slt, %add3A_720, %sign3A_726 : i32
        %sign3A_728 = arith.extui %sign3A_727 : i1 to i32
        %sign3A_729 = arith.subi %sign3A_725, %sign3A_728 : i32
        %sign3A_730 = arith.constant 0 : i32
        %sign3A_731 = arith.cmpi sgt, %jit3A_721, %sign3A_730 : i32
        %sign3A_732 = arith.extui %sign3A_731 : i1 to i32
        %sign3A_733 = arith.constant 0 : i32
        %sign3A_734 = arith.cmpi slt, %jit3A_721, %sign3A_733 : i32
        %sign3A_735 = arith.extui %sign3A_734 : i1 to i32
        %sign3A_736 = arith.subi %sign3A_732, %sign3A_735 : i32
        %ne3A_737 = arith.cmpi ne, %sign3A_729, %sign3A_736 : i32
        %rem3A_738 = arith.remsi %add3A_720, %jit3A_721 : i32
        %ne3A_739 = arith.constant 0 : i32
        %ne3A_740 = arith.cmpi ne, %rem3A_738, %ne3A_739 : i32
        %and3A_741 = arith.andi %ne3A_737, %ne3A_740 : i1
        %sub3A_742 = arith.constant 1 : i32
        %sub3A_743 = arith.subi %div3A_722, %sub3A_742 : i32
        %select_n3A_744 = arith.select %and3A_741, %sub3A_743, %div3A_722 : i32
        %mul3A_745 = arith.constant 262144 : i32
        %mul3A_746 = arith.muli %select_n3A_744, %mul3A_745 : i32
        %mul3A_747 = arith.constant 4 : i32
        %mul3A_748 = arith.muli %arg0, %mul3A_747 : i32
        %jit3A_749 = arith.constant 4 : i32
        %eq3A_750 = arith.constant 0 : i32
        %eq3A_751 = arith.cmpi eq, %jit3A_749, %eq3A_750 : i32
        %jit3A_752 = arith.constant 1 : i32
        %select_n3A_753 = arith.select %eq3A_751, %jit3A_752, %jit3A_749 : i32
        %rem3A_754 = arith.remsi %add3A_720, %select_n3A_753 : i32
        %ne3A_755 = arith.constant 0 : i32
        %ne3A_756 = arith.cmpi ne, %rem3A_754, %ne3A_755 : i32
        %lt3A_757 = arith.constant 0 : i32
        %lt3A_758 = arith.cmpi slt, %rem3A_754, %lt3A_757 : i32
        %lt3A_759 = arith.constant 0 : i32
        %lt3A_760 = arith.cmpi slt, %select_n3A_753, %lt3A_759 : i32
        %ne3A_761 = arith.xori %lt3A_758, %lt3A_760 : i1
        %and3A_762 = arith.andi %ne3A_761, %ne3A_756 : i1
        %add3A_763 = arith.addi %rem3A_754, %select_n3A_753 : i32
        %select_n3A_764 = arith.select %and3A_762, %add3A_763, %rem3A_754 : i32
        %add3A_765 = arith.addi %mul3A_748, %select_n3A_764 : i32
        %mul3A_766 = arith.constant 32768 : i32
        %mul3A_767 = arith.muli %add3A_765, %mul3A_766 : i32
        %add3A_768 = arith.addi %mul3A_746, %mul3A_767 : i32
        %jit3A_769 = arith.constant 8 : i32
        %eq3A_770 = arith.constant 0 : i32
        %eq3A_771 = arith.cmpi eq, %jit3A_769, %eq3A_770 : i32
        %jit3A_772 = arith.constant 1 : i32
        %select_n3A_773 = arith.select %eq3A_771, %jit3A_772, %jit3A_769 : i32
        %rem3A_774 = arith.remsi %add3A_693, %select_n3A_773 : i32
        %ne3A_775 = arith.constant 0 : i32
        %ne3A_776 = arith.cmpi ne, %rem3A_774, %ne3A_775 : i32
        %lt3A_777 = arith.constant 0 : i32
        %lt3A_778 = arith.cmpi slt, %rem3A_774, %lt3A_777 : i32
        %lt3A_779 = arith.constant 0 : i32
        %lt3A_780 = arith.cmpi slt, %select_n3A_773, %lt3A_779 : i32
        %ne3A_781 = arith.xori %lt3A_778, %lt3A_780 : i1
        %and3A_782 = arith.andi %ne3A_781, %ne3A_776 : i1
        %add3A_783 = arith.addi %rem3A_774, %select_n3A_773 : i32
        %select_n3A_784 = arith.select %and3A_782, %add3A_783, %rem3A_774 : i32
        %mul3A_785 = arith.constant 4096 : i32
        %mul3A_786 = arith.muli %select_n3A_784, %mul3A_785 : i32
        %add3A_787 = arith.addi %add3A_768, %mul3A_786 : i32
        %dma_start3A_788 = tpu.memref_slice %arg2[%add3A_787] : memref<2097152xi32, #tpu.memory_space<hbm>> -> memref<4096xi32, #tpu.memory_space<hbm>>
        %dma_start3A_789 = tpu.memref_slice %arg2[%add3A_787] : memref<2097152xi32, #tpu.memory_space<hbm>> -> memref<4096xi32, #tpu.memory_space<hbm>>
        tpu.enqueue_dma source(%dma_start3A_789 : memref<4096xi32, #tpu.memory_space<hbm>>) target(%arg5 : memref<4096xi32, #tpu.memory_space<vmem>>) target_semaphore(%arg10 : memref<!tpu.dma_semaphore, #tpu.memory_space<semaphore_mem>>)
      } else {
      }
      %dma_start3A_625 = arith.constant 0 : i32
      %dma_start3A_626 = tpu.memref_slice %arg6[%dma_start3A_625] : memref<4096xi32, #tpu.memory_space<vmem>> -> memref<512xi32, #tpu.memory_space<vmem>>
      %dma_start3A_627 = arith.constant 0 : i32
      %dma_start3A_628 = tpu.memref_slice %arg4[%dma_start3A_627] : memref<1048704xf32, #tpu.memory_space<vmem_shared>> -> memref<1048704xf32, #tpu.memory_space<vmem_shared>>
      tpu.enqueue_indirect_dma source(%arg7 : memref<512xf32, #tpu.memory_space<vmem>>) target(%dma_start3A_628 : memref<1048704xf32, #tpu.memory_space<vmem_shared>>) offsets(%dma_start3A_626 : memref<512xi32, #tpu.memory_space<vmem>>) semaphore(%arg11 : memref<!tpu.dma_semaphore, #tpu.memory_space<semaphore_mem>>)
      %dma_start3A_629 = arith.constant 512 : i32
      %dma_start3A_630 = tpu.memref_slice %arg6[%dma_start3A_629] : memref<4096xi32, #tpu.memory_space<vmem>> -> memref<512xi32, #tpu.memory_space<vmem>>
      %dma_start3A_631 = arith.constant 0 : i32
      %dma_start3A_632 = tpu.memref_slice %arg4[%dma_start3A_631] : memref<1048704xf32, #tpu.memory_space<vmem_shared>> -> memref<1048704xf32, #tpu.memory_space<vmem_shared>>
      tpu.enqueue_indirect_dma source(%arg7 : memref<512xf32, #tpu.memory_space<vmem>>) target(%dma_start3A_632 : memref<1048704xf32, #tpu.memory_space<vmem_shared>>) offsets(%dma_start3A_630 : memref<512xi32, #tpu.memory_space<vmem>>) semaphore(%arg11 : memref<!tpu.dma_semaphore, #tpu.memory_space<semaphore_mem>>)
      %dma_start3A_633 = arith.constant 1024 : i32
      %dma_start3A_634 = tpu.memref_slice %arg6[%dma_start3A_633] : memref<4096xi32, #tpu.memory_space<vmem>> -> memref<512xi32, #tpu.memory_space<vmem>>
      %dma_start3A_635 = arith.constant 0 : i32
      %dma_start3A_636 = tpu.memref_slice %arg4[%dma_start3A_635] : memref<1048704xf32, #tpu.memory_space<vmem_shared>> -> memref<1048704xf32, #tpu.memory_space<vmem_shared>>
      tpu.enqueue_indirect_dma source(%arg7 : memref<512xf32, #tpu.memory_space<vmem>>) target(%dma_start3A_636 : memref<1048704xf32, #tpu.memory_space<vmem_shared>>) offsets(%dma_start3A_634 : memref<512xi32, #tpu.memory_space<vmem>>) semaphore(%arg11 : memref<!tpu.dma_semaphore, #tpu.memory_space<semaphore_mem>>)
      %dma_start3A_637 = arith.constant 1536 : i32
      %dma_start3A_638 = tpu.memref_slice %arg6[%dma_start3A_637] : memref<4096xi32, #tpu.memory_space<vmem>> -> memref<512xi32, #tpu.memory_space<vmem>>
      %dma_start3A_639 = arith.constant 0 : i32
      %dma_start3A_640 = tpu.memref_slice %arg4[%dma_start3A_639] : memref<1048704xf32, #tpu.memory_space<vmem_shared>> -> memref<1048704xf32, #tpu.memory_space<vmem_shared>>
      tpu.enqueue_indirect_dma source(%arg7 : memref<512xf32, #tpu.memory_space<vmem>>) target(%dma_start3A_640 : memref<1048704xf32, #tpu.memory_space<vmem_shared>>) offsets(%dma_start3A_638 : memref<512xi32, #tpu.memory_space<vmem>>) semaphore(%arg11 : memref<!tpu.dma_semaphore, #tpu.memory_space<semaphore_mem>>)
      %dma_start3A_641 = arith.constant 2048 : i32
      %dma_start3A_642 = tpu.memref_slice %arg6[%dma_start3A_641] : memref<4096xi32, #tpu.memory_space<vmem>> -> memref<512xi32, #tpu.memory_space<vmem>>
      %dma_start3A_643 = arith.constant 0 : i32
      %dma_start3A_644 = tpu.memref_slice %arg4[%dma_start3A_643] : memref<1048704xf32, #tpu.memory_space<vmem_shared>> -> memref<1048704xf32, #tpu.memory_space<vmem_shared>>
      tpu.enqueue_indirect_dma source(%arg7 : memref<512xf32, #tpu.memory_space<vmem>>) target(%dma_start3A_644 : memref<1048704xf32, #tpu.memory_space<vmem_shared>>) offsets(%dma_start3A_642 : memref<512xi32, #tpu.memory_space<vmem>>) semaphore(%arg11 : memref<!tpu.dma_semaphore, #tpu.memory_space<semaphore_mem>>)
      %dma_start3A_645 = arith.constant 2560 : i32
      %dma_start3A_646 = tpu.memref_slice %arg6[%dma_start3A_645] : memref<4096xi32, #tpu.memory_space<vmem>> -> memref<512xi32, #tpu.memory_space<vmem>>
      %dma_start3A_647 = arith.constant 0 : i32
      %dma_start3A_648 = tpu.memref_slice %arg4[%dma_start3A_647] : memref<1048704xf32, #tpu.memory_space<vmem_shared>> -> memref<1048704xf32, #tpu.memory_space<vmem_shared>>
      tpu.enqueue_indirect_dma source(%arg7 : memref<512xf32, #tpu.memory_space<vmem>>) target(%dma_start3A_648 : memref<1048704xf32, #tpu.memory_space<vmem_shared>>) offsets(%dma_start3A_646 : memref<512xi32, #tpu.memory_space<vmem>>) semaphore(%arg11 : memref<!tpu.dma_semaphore, #tpu.memory_space<semaphore_mem>>)
      %dma_start3A_649 = arith.constant 3072 : i32
      %dma_start3A_650 = tpu.memref_slice %arg6[%dma_start3A_649] : memref<4096xi32, #tpu.memory_space<vmem>> -> memref<512xi32, #tpu.memory_space<vmem>>
      %dma_start3A_651 = arith.constant 0 : i32
      %dma_start3A_652 = tpu.memref_slice %arg4[%dma_start3A_651] : memref<1048704xf32, #tpu.memory_space<vmem_shared>> -> memref<1048704xf32, #tpu.memory_space<vmem_shared>>
      tpu.enqueue_indirect_dma source(%arg7 : memref<512xf32, #tpu.memory_space<vmem>>) target(%dma_start3A_652 : memref<1048704xf32, #tpu.memory_space<vmem_shared>>) offsets(%dma_start3A_650 : memref<512xi32, #tpu.memory_space<vmem>>) semaphore(%arg11 : memref<!tpu.dma_semaphore, #tpu.memory_space<semaphore_mem>>)
      %dma_start3A_653 = arith.constant 3584 : i32
      %dma_start3A_654 = tpu.memref_slice %arg6[%dma_start3A_653] : memref<4096xi32, #tpu.memory_space<vmem>> -> memref<512xi32, #tpu.memory_space<vmem>>
      %dma_start3A_655 = arith.constant 0 : i32
      %dma_start3A_656 = tpu.memref_slice %arg4[%dma_start3A_655] : memref<1048704xf32, #tpu.memory_space<vmem_shared>> -> memref<1048704xf32, #tpu.memory_space<vmem_shared>>
      tpu.enqueue_indirect_dma source(%arg7 : memref<512xf32, #tpu.memory_space<vmem>>) target(%dma_start3A_656 : memref<1048704xf32, #tpu.memory_space<vmem_shared>>) offsets(%dma_start3A_654 : memref<512xi32, #tpu.memory_space<vmem>>) semaphore(%arg11 : memref<!tpu.dma_semaphore, #tpu.memory_space<semaphore_mem>>)
      %dma_wait3A_657 = arith.constant 0 : i32
      %dma_wait3A_658 = tpu.memref_slice %arg6[%dma_wait3A_657] : memref<4096xi32, #tpu.memory_space<vmem>> -> memref<512xi32, #tpu.memory_space<vmem>>
      %dma_wait3A_659 = arith.constant 0 : i32
      %dma_wait3A_660 = tpu.memref_slice %arg4[%dma_wait3A_659] : memref<1048704xf32, #tpu.memory_space<vmem_shared>> -> memref<1048704xf32, #tpu.memory_space<vmem_shared>>
      tpu.wait_indirect_dma semaphore(%arg11 : memref<!tpu.dma_semaphore, #tpu.memory_space<semaphore_mem>>) src(%arg7 : memref<512xf32, #tpu.memory_space<vmem>>) dst(%dma_wait3A_660 : memref<1048704xf32, #tpu.memory_space<vmem_shared>>)
      %dma_wait3A_661 = arith.constant 512 : i32
      %dma_wait3A_662 = tpu.memref_slice %arg6[%dma_wait3A_661] : memref<4096xi32, #tpu.memory_space<vmem>> -> memref<512xi32, #tpu.memory_space<vmem>>
      %dma_wait3A_663 = arith.constant 0 : i32
      %dma_wait3A_664 = tpu.memref_slice %arg4[%dma_wait3A_663] : memref<1048704xf32, #tpu.memory_space<vmem_shared>> -> memref<1048704xf32, #tpu.memory_space<vmem_shared>>
      tpu.wait_indirect_dma semaphore(%arg11 : memref<!tpu.dma_semaphore, #tpu.memory_space<semaphore_mem>>) src(%arg7 : memref<512xf32, #tpu.memory_space<vmem>>) dst(%dma_wait3A_664 : memref<1048704xf32, #tpu.memory_space<vmem_shared>>)
      %dma_wait3A_665 = arith.constant 1024 : i32
      %dma_wait3A_666 = tpu.memref_slice %arg6[%dma_wait3A_665] : memref<4096xi32, #tpu.memory_space<vmem>> -> memref<512xi32, #tpu.memory_space<vmem>>
      %dma_wait3A_667 = arith.constant 0 : i32
      %dma_wait3A_668 = tpu.memref_slice %arg4[%dma_wait3A_667] : memref<1048704xf32, #tpu.memory_space<vmem_shared>> -> memref<1048704xf32, #tpu.memory_space<vmem_shared>>
      tpu.wait_indirect_dma semaphore(%arg11 : memref<!tpu.dma_semaphore, #tpu.memory_space<semaphore_mem>>) src(%arg7 : memref<512xf32, #tpu.memory_space<vmem>>) dst(%dma_wait3A_668 : memref<1048704xf32, #tpu.memory_space<vmem_shared>>)
      %dma_wait3A_669 = arith.constant 1536 : i32
      %dma_wait3A_670 = tpu.memref_slice %arg6[%dma_wait3A_669] : memref<4096xi32, #tpu.memory_space<vmem>> -> memref<512xi32, #tpu.memory_space<vmem>>
      %dma_wait3A_671 = arith.constant 0 : i32
      %dma_wait3A_672 = tpu.memref_slice %arg4[%dma_wait3A_671] : memref<1048704xf32, #tpu.memory_space<vmem_shared>> -> memref<1048704xf32, #tpu.memory_space<vmem_shared>>
      tpu.wait_indirect_dma semaphore(%arg11 : memref<!tpu.dma_semaphore, #tpu.memory_space<semaphore_mem>>) src(%arg7 : memref<512xf32, #tpu.memory_space<vmem>>) dst(%dma_wait3A_672 : memref<1048704xf32, #tpu.memory_space<vmem_shared>>)
      %dma_wait3A_673 = arith.constant 2048 : i32
      %dma_wait3A_674 = tpu.memref_slice %arg6[%dma_wait3A_673] : memref<4096xi32, #tpu.memory_space<vmem>> -> memref<512xi32, #tpu.memory_space<vmem>>
      %dma_wait3A_675 = arith.constant 0 : i32
      %dma_wait3A_676 = tpu.memref_slice %arg4[%dma_wait3A_675] : memref<1048704xf32, #tpu.memory_space<vmem_shared>> -> memref<1048704xf32, #tpu.memory_space<vmem_shared>>
      tpu.wait_indirect_dma semaphore(%arg11 : memref<!tpu.dma_semaphore, #tpu.memory_space<semaphore_mem>>) src(%arg7 : memref<512xf32, #tpu.memory_space<vmem>>) dst(%dma_wait3A_676 : memref<1048704xf32, #tpu.memory_space<vmem_shared>>)
      %dma_wait3A_677 = arith.constant 2560 : i32
      %dma_wait3A_678 = tpu.memref_slice %arg6[%dma_wait3A_677] : memref<4096xi32, #tpu.memory_space<vmem>> -> memref<512xi32, #tpu.memory_space<vmem>>
      %dma_wait3A_679 = arith.constant 0 : i32
      %dma_wait3A_680 = tpu.memref_slice %arg4[%dma_wait3A_679] : memref<1048704xf32, #tpu.memory_space<vmem_shared>> -> memref<1048704xf32, #tpu.memory_space<vmem_shared>>
      tpu.wait_indirect_dma semaphore(%arg11 : memref<!tpu.dma_semaphore, #tpu.memory_space<semaphore_mem>>) src(%arg7 : memref<512xf32, #tpu.memory_space<vmem>>) dst(%dma_wait3A_680 : memref<1048704xf32, #tpu.memory_space<vmem_shared>>)
      %dma_wait3A_681 = arith.constant 3072 : i32
      %dma_wait3A_682 = tpu.memref_slice %arg6[%dma_wait3A_681] : memref<4096xi32, #tpu.memory_space<vmem>> -> memref<512xi32, #tpu.memory_space<vmem>>
      %dma_wait3A_683 = arith.constant 0 : i32
      %dma_wait3A_684 = tpu.memref_slice %arg4[%dma_wait3A_683] : memref<1048704xf32, #tpu.memory_space<vmem_shared>> -> memref<1048704xf32, #tpu.memory_space<vmem_shared>>
      tpu.wait_indirect_dma semaphore(%arg11 : memref<!tpu.dma_semaphore, #tpu.memory_space<semaphore_mem>>) src(%arg7 : memref<512xf32, #tpu.memory_space<vmem>>) dst(%dma_wait3A_684 : memref<1048704xf32, #tpu.memory_space<vmem_shared>>)
      %dma_wait3A_685 = arith.constant 3584 : i32
      %dma_wait3A_686 = tpu.memref_slice %arg6[%dma_wait3A_685] : memref<4096xi32, #tpu.memory_space<vmem>> -> memref<512xi32, #tpu.memory_space<vmem>>
      %dma_wait3A_687 = arith.constant 0 : i32
      %dma_wait3A_688 = tpu.memref_slice %arg4[%dma_wait3A_687] : memref<1048704xf32, #tpu.memory_space<vmem_shared>> -> memref<1048704xf32, #tpu.memory_space<vmem_shared>>
      tpu.wait_indirect_dma semaphore(%arg11 : memref<!tpu.dma_semaphore, #tpu.memory_space<semaphore_mem>>) src(%arg7 : memref<512xf32, #tpu.memory_space<vmem>>) dst(%dma_wait3A_688 : memref<1048704xf32, #tpu.memory_space<vmem_shared>>)
      %scan3A_689 = arith.constant 0 : i32
      scf.yield %scan3A_689 : i32
    }
    %scan3A_199 = arith.constant 8 : i32
    %barrier3A_200 = arith.constant 0 : index
    tpu.barrier barrier_id(%barrier3A_200)
    %broadcast_in_dim3A_201 = arith.constant 0.000000e+00 : f32
    %broadcast_in_dim3A_202 = vector.broadcast %broadcast_in_dim3A_201 : f32 to vector<16xf32>
    %broadcast_in_dim3A_203 = arith.constant 0.000000e+00 : f32
    %broadcast_in_dim3A_204 = vector.broadcast %broadcast_in_dim3A_203 : f32 to vector<16xf32>
    %broadcast_in_dim3A_205 = arith.constant 0.000000e+00 : f32
    %broadcast_in_dim3A_206 = vector.broadcast %broadcast_in_dim3A_205 : f32 to vector<16xf32>
    %broadcast_in_dim3A_207 = arith.constant 0.000000e+00 : f32
    %broadcast_in_dim3A_208 = vector.broadcast %broadcast_in_dim3A_207 : f32 to vector<16xf32>
    %mul3A_209 = arith.constant 65536 : i32
    %mul3A_210 = arith.muli %arg1, %mul3A_209 : i32
    %add3A_211 = arith.constant 0 : i32
    %add3A_212 = arith.addi %mul3A_210, %add3A_211 : i32
    "tpu.region"() ({
      %run_scoped3A = tpu.sem_alloc : memref<!tpu.dma_semaphore, #tpu.memory_space<semaphore_mem>>
      %dma_start3A_257 = tpu.memref_slice %arg4[%add3A_212] : memref<1048704xf32, #tpu.memory_space<vmem_shared>> -> memref<16384xf32, #tpu.memory_space<vmem_shared>>
      %dma_start3A_258 = tpu.memref_slice %arg4[%add3A_212] : memref<1048704xf32, #tpu.memory_space<vmem_shared>> -> memref<16384xf32, #tpu.memory_space<vmem_shared>>
      tpu.enqueue_dma source(%dma_start3A_258 : memref<16384xf32, #tpu.memory_space<vmem_shared>>) target(%arg8 : memref<16384xf32, #tpu.memory_space<vmem>>) target_semaphore(%run_scoped3A : memref<!tpu.dma_semaphore, #tpu.memory_space<semaphore_mem>>)
      %dma_wait3A = tpu.memref_slice %arg4[%add3A_212] : memref<1048704xf32, #tpu.memory_space<vmem_shared>> -> memref<16384xf32, #tpu.memory_space<vmem_shared>>
      %dma_wait3A_259 = tpu.memref_slice %arg4[%add3A_212] : memref<1048704xf32, #tpu.memory_space<vmem_shared>> -> memref<16384xf32, #tpu.memory_space<vmem_shared>>
      tpu.wait_dma2 semaphore(%run_scoped3A : memref<!tpu.dma_semaphore, #tpu.memory_space<semaphore_mem>>) src(%dma_wait3A_259 : memref<16384xf32, #tpu.memory_space<vmem_shared>>) dst(%arg8 : memref<16384xf32, #tpu.memory_space<vmem>>)
      tpu.yield
    }) : () -> ()
    %parallel_loop3A_213 = arith.constant 0 : i32
    %parallel_loop3A_214 = arith.constant 256 : i32
    %parallel_loop3A_215 = arith.constant 1 : i32
    %parallel_loop3A_216:4 = scf.for %parallel_loop3A_257 = %parallel_loop3A_213 to %parallel_loop3A_214 step %parallel_loop3A_215 iter_args(%parallel_loop3A_258 = %broadcast_in_dim3A_202, %parallel_loop3A_259 = %broadcast_in_dim3A_204, %parallel_loop3A_260 = %broadcast_in_dim3A_206, %parallel_loop3A_261 = %broadcast_in_dim3A_208) -> (vector<16xf32>, vector<16xf32>, vector<16xf32>, vector<16xf32>)  : i32 {
      %parallel_loop3A_262 = arith.constant 64 : i32
      %parallel_loop3A_263 = arith.muli %parallel_loop3A_257, %parallel_loop3A_262 : i32
      %parallel_loop3A_264 = arith.index_cast %parallel_loop3A_263 : i32 to index
      %parallel_loop3A_265 = tpu.vector_load %arg8[%parallel_loop3A_264] {strides = array<i32>} : memref<16384xf32, #tpu.memory_space<vmem>>, vector<16xf32>,
      %parallel_loop3A_266 = vector.shape_cast %parallel_loop3A_265 : vector<16xf32> to vector<16xf32>
      %parallel_loop3A_267 = arith.addf %parallel_loop3A_258, %parallel_loop3A_266 : vector<16xf32>
      %parallel_loop3A_268 = arith.constant 16 : i32
      %parallel_loop3A_269 = arith.addi %parallel_loop3A_263, %parallel_loop3A_268 : i32
      %parallel_loop3A_270 = arith.index_cast %parallel_loop3A_269 : i32 to index
      %parallel_loop3A_271 = tpu.vector_load %arg8[%parallel_loop3A_270] {strides = array<i32>} : memref<16384xf32, #tpu.memory_space<vmem>>, vector<16xf32>,
      %parallel_loop3A_272 = vector.shape_cast %parallel_loop3A_271 : vector<16xf32> to vector<16xf32>
      %parallel_loop3A_273 = arith.addf %parallel_loop3A_259, %parallel_loop3A_272 : vector<16xf32>
      %parallel_loop3A_274 = arith.constant 32 : i32
      %parallel_loop3A_275 = arith.addi %parallel_loop3A_263, %parallel_loop3A_274 : i32
      %parallel_loop3A_276 = arith.index_cast %parallel_loop3A_275 : i32 to index
      %parallel_loop3A_277 = tpu.vector_load %arg8[%parallel_loop3A_276] {strides = array<i32>} : memref<16384xf32, #tpu.memory_space<vmem>>, vector<16xf32>,
      %parallel_loop3A_278 = vector.shape_cast %parallel_loop3A_277 : vector<16xf32> to vector<16xf32>
      %parallel_loop3A_279 = arith.addf %parallel_loop3A_260, %parallel_loop3A_278 : vector<16xf32>
      %parallel_loop3A_280 = arith.constant 48 : i32
      %parallel_loop3A_281 = arith.addi %parallel_loop3A_263, %parallel_loop3A_280 : i32
      %parallel_loop3A_282 = arith.index_cast %parallel_loop3A_281 : i32 to index
      %parallel_loop3A_283 = tpu.vector_load %arg8[%parallel_loop3A_282] {strides = array<i32>} : memref<16384xf32, #tpu.memory_space<vmem>>, vector<16xf32>,
      %parallel_loop3A_284 = vector.shape_cast %parallel_loop3A_283 : vector<16xf32> to vector<16xf32>
      %parallel_loop3A_285 = arith.addf %parallel_loop3A_261, %parallel_loop3A_284 : vector<16xf32>
      scf.yield %parallel_loop3A_267, %parallel_loop3A_273, %parallel_loop3A_279, %parallel_loop3A_285 : vector<16xf32>, vector<16xf32>, vector<16xf32>, vector<16xf32>
    } {sc.loop_unroll_factor = 4 : i64, sc.parallel_access}
    %mul3A_217 = arith.constant 65536 : i32
    %mul3A_218 = arith.muli %arg1, %mul3A_217 : i32
    %add3A_219 = arith.constant 16384 : i32
    %add3A_220 = arith.addi %mul3A_218, %add3A_219 : i32
    "tpu.region"() ({
      %run_scoped3A = tpu.sem_alloc : memref<!tpu.dma_semaphore, #tpu.memory_space<semaphore_mem>>
      %dma_start3A_257 = tpu.memref_slice %arg4[%add3A_220] : memref<1048704xf32, #tpu.memory_space<vmem_shared>> -> memref<16384xf32, #tpu.memory_space<vmem_shared>>
      %dma_start3A_258 = tpu.memref_slice %arg4[%add3A_220] : memref<1048704xf32, #tpu.memory_space<vmem_shared>> -> memref<16384xf32, #tpu.memory_space<vmem_shared>>
      tpu.enqueue_dma source(%dma_start3A_258 : memref<16384xf32, #tpu.memory_space<vmem_shared>>) target(%arg8 : memref<16384xf32, #tpu.memory_space<vmem>>) target_semaphore(%run_scoped3A : memref<!tpu.dma_semaphore, #tpu.memory_space<semaphore_mem>>)
      %dma_wait3A = tpu.memref_slice %arg4[%add3A_220] : memref<1048704xf32, #tpu.memory_space<vmem_shared>> -> memref<16384xf32, #tpu.memory_space<vmem_shared>>
      %dma_wait3A_259 = tpu.memref_slice %arg4[%add3A_220] : memref<1048704xf32, #tpu.memory_space<vmem_shared>> -> memref<16384xf32, #tpu.memory_space<vmem_shared>>
      tpu.wait_dma2 semaphore(%run_scoped3A : memref<!tpu.dma_semaphore, #tpu.memory_space<semaphore_mem>>) src(%dma_wait3A_259 : memref<16384xf32, #tpu.memory_space<vmem_shared>>) dst(%arg8 : memref<16384xf32, #tpu.memory_space<vmem>>)
      tpu.yield
    }) : () -> ()
    %parallel_loop3A_221 = arith.constant 0 : i32
    %parallel_loop3A_222 = arith.constant 256 : i32
    %parallel_loop3A_223 = arith.constant 1 : i32
    %parallel_loop3A_224:4 = scf.for %parallel_loop3A_257 = %parallel_loop3A_221 to %parallel_loop3A_222 step %parallel_loop3A_223 iter_args(%parallel_loop3A_258 = %parallel_loop3A_216#0, %parallel_loop3A_259 = %parallel_loop3A_216#1, %parallel_loop3A_260 = %parallel_loop3A_216#2, %parallel_loop3A_261 = %parallel_loop3A_216#3) -> (vector<16xf32>, vector<16xf32>, vector<16xf32>, vector<16xf32>)  : i32 {
      %parallel_loop3A_262 = arith.constant 64 : i32
      %parallel_loop3A_263 = arith.muli %parallel_loop3A_257, %parallel_loop3A_262 : i32
      %parallel_loop3A_264 = arith.index_cast %parallel_loop3A_263 : i32 to index
      %parallel_loop3A_265 = tpu.vector_load %arg8[%parallel_loop3A_264] {strides = array<i32>} : memref<16384xf32, #tpu.memory_space<vmem>>, vector<16xf32>,
      %parallel_loop3A_266 = vector.shape_cast %parallel_loop3A_265 : vector<16xf32> to vector<16xf32>
      %parallel_loop3A_267 = arith.addf %parallel_loop3A_258, %parallel_loop3A_266 : vector<16xf32>
      %parallel_loop3A_268 = arith.constant 16 : i32
      %parallel_loop3A_269 = arith.addi %parallel_loop3A_263, %parallel_loop3A_268 : i32
      %parallel_loop3A_270 = arith.index_cast %parallel_loop3A_269 : i32 to index
      %parallel_loop3A_271 = tpu.vector_load %arg8[%parallel_loop3A_270] {strides = array<i32>} : memref<16384xf32, #tpu.memory_space<vmem>>, vector<16xf32>,
      %parallel_loop3A_272 = vector.shape_cast %parallel_loop3A_271 : vector<16xf32> to vector<16xf32>
      %parallel_loop3A_273 = arith.addf %parallel_loop3A_259, %parallel_loop3A_272 : vector<16xf32>
      %parallel_loop3A_274 = arith.constant 32 : i32
      %parallel_loop3A_275 = arith.addi %parallel_loop3A_263, %parallel_loop3A_274 : i32
      %parallel_loop3A_276 = arith.index_cast %parallel_loop3A_275 : i32 to index
      %parallel_loop3A_277 = tpu.vector_load %arg8[%parallel_loop3A_276] {strides = array<i32>} : memref<16384xf32, #tpu.memory_space<vmem>>, vector<16xf32>,
      %parallel_loop3A_278 = vector.shape_cast %parallel_loop3A_277 : vector<16xf32> to vector<16xf32>
      %parallel_loop3A_279 = arith.addf %parallel_loop3A_260, %parallel_loop3A_278 : vector<16xf32>
      %parallel_loop3A_280 = arith.constant 48 : i32
      %parallel_loop3A_281 = arith.addi %parallel_loop3A_263, %parallel_loop3A_280 : i32
      %parallel_loop3A_282 = arith.index_cast %parallel_loop3A_281 : i32 to index
      %parallel_loop3A_283 = tpu.vector_load %arg8[%parallel_loop3A_282] {strides = array<i32>} : memref<16384xf32, #tpu.memory_space<vmem>>, vector<16xf32>,
      %parallel_loop3A_284 = vector.shape_cast %parallel_loop3A_283 : vector<16xf32> to vector<16xf32>
      %parallel_loop3A_285 = arith.addf %parallel_loop3A_261, %parallel_loop3A_284 : vector<16xf32>
      scf.yield %parallel_loop3A_267, %parallel_loop3A_273, %parallel_loop3A_279, %parallel_loop3A_285 : vector<16xf32>, vector<16xf32>, vector<16xf32>, vector<16xf32>
    } {sc.loop_unroll_factor = 4 : i64, sc.parallel_access}
    %mul3A_225 = arith.constant 65536 : i32
    %mul3A_226 = arith.muli %arg1, %mul3A_225 : i32
    %add3A_227 = arith.constant 32768 : i32
    %add3A_228 = arith.addi %mul3A_226, %add3A_227 : i32
    "tpu.region"() ({
      %run_scoped3A = tpu.sem_alloc : memref<!tpu.dma_semaphore, #tpu.memory_space<semaphore_mem>>
      %dma_start3A_257 = tpu.memref_slice %arg4[%add3A_228] : memref<1048704xf32, #tpu.memory_space<vmem_shared>> -> memref<16384xf32, #tpu.memory_space<vmem_shared>>
      %dma_start3A_258 = tpu.memref_slice %arg4[%add3A_228] : memref<1048704xf32, #tpu.memory_space<vmem_shared>> -> memref<16384xf32, #tpu.memory_space<vmem_shared>>
      tpu.enqueue_dma source(%dma_start3A_258 : memref<16384xf32, #tpu.memory_space<vmem_shared>>) target(%arg8 : memref<16384xf32, #tpu.memory_space<vmem>>) target_semaphore(%run_scoped3A : memref<!tpu.dma_semaphore, #tpu.memory_space<semaphore_mem>>)
      %dma_wait3A = tpu.memref_slice %arg4[%add3A_228] : memref<1048704xf32, #tpu.memory_space<vmem_shared>> -> memref<16384xf32, #tpu.memory_space<vmem_shared>>
      %dma_wait3A_259 = tpu.memref_slice %arg4[%add3A_228] : memref<1048704xf32, #tpu.memory_space<vmem_shared>> -> memref<16384xf32, #tpu.memory_space<vmem_shared>>
      tpu.wait_dma2 semaphore(%run_scoped3A : memref<!tpu.dma_semaphore, #tpu.memory_space<semaphore_mem>>) src(%dma_wait3A_259 : memref<16384xf32, #tpu.memory_space<vmem_shared>>) dst(%arg8 : memref<16384xf32, #tpu.memory_space<vmem>>)
      tpu.yield
    }) : () -> ()
    %parallel_loop3A_229 = arith.constant 0 : i32
    %parallel_loop3A_230 = arith.constant 256 : i32
    %parallel_loop3A_231 = arith.constant 1 : i32
    %parallel_loop3A_232:4 = scf.for %parallel_loop3A_257 = %parallel_loop3A_229 to %parallel_loop3A_230 step %parallel_loop3A_231 iter_args(%parallel_loop3A_258 = %parallel_loop3A_224#0, %parallel_loop3A_259 = %parallel_loop3A_224#1, %parallel_loop3A_260 = %parallel_loop3A_224#2, %parallel_loop3A_261 = %parallel_loop3A_224#3) -> (vector<16xf32>, vector<16xf32>, vector<16xf32>, vector<16xf32>)  : i32 {
      %parallel_loop3A_262 = arith.constant 64 : i32
      %parallel_loop3A_263 = arith.muli %parallel_loop3A_257, %parallel_loop3A_262 : i32
      %parallel_loop3A_264 = arith.index_cast %parallel_loop3A_263 : i32 to index
      %parallel_loop3A_265 = tpu.vector_load %arg8[%parallel_loop3A_264] {strides = array<i32>} : memref<16384xf32, #tpu.memory_space<vmem>>, vector<16xf32>,
      %parallel_loop3A_266 = vector.shape_cast %parallel_loop3A_265 : vector<16xf32> to vector<16xf32>
      %parallel_loop3A_267 = arith.addf %parallel_loop3A_258, %parallel_loop3A_266 : vector<16xf32>
      %parallel_loop3A_268 = arith.constant 16 : i32
      %parallel_loop3A_269 = arith.addi %parallel_loop3A_263, %parallel_loop3A_268 : i32
      %parallel_loop3A_270 = arith.index_cast %parallel_loop3A_269 : i32 to index
      %parallel_loop3A_271 = tpu.vector_load %arg8[%parallel_loop3A_270] {strides = array<i32>} : memref<16384xf32, #tpu.memory_space<vmem>>, vector<16xf32>,
      %parallel_loop3A_272 = vector.shape_cast %parallel_loop3A_271 : vector<16xf32> to vector<16xf32>
      %parallel_loop3A_273 = arith.addf %parallel_loop3A_259, %parallel_loop3A_272 : vector<16xf32>
      %parallel_loop3A_274 = arith.constant 32 : i32
      %parallel_loop3A_275 = arith.addi %parallel_loop3A_263, %parallel_loop3A_274 : i32
      %parallel_loop3A_276 = arith.index_cast %parallel_loop3A_275 : i32 to index
      %parallel_loop3A_277 = tpu.vector_load %arg8[%parallel_loop3A_276] {strides = array<i32>} : memref<16384xf32, #tpu.memory_space<vmem>>, vector<16xf32>,
      %parallel_loop3A_278 = vector.shape_cast %parallel_loop3A_277 : vector<16xf32> to vector<16xf32>
      %parallel_loop3A_279 = arith.addf %parallel_loop3A_260, %parallel_loop3A_278 : vector<16xf32>
      %parallel_loop3A_280 = arith.constant 48 : i32
      %parallel_loop3A_281 = arith.addi %parallel_loop3A_263, %parallel_loop3A_280 : i32
      %parallel_loop3A_282 = arith.index_cast %parallel_loop3A_281 : i32 to index
      %parallel_loop3A_283 = tpu.vector_load %arg8[%parallel_loop3A_282] {strides = array<i32>} : memref<16384xf32, #tpu.memory_space<vmem>>, vector<16xf32>,
      %parallel_loop3A_284 = vector.shape_cast %parallel_loop3A_283 : vector<16xf32> to vector<16xf32>
      %parallel_loop3A_285 = arith.addf %parallel_loop3A_261, %parallel_loop3A_284 : vector<16xf32>
      scf.yield %parallel_loop3A_267, %parallel_loop3A_273, %parallel_loop3A_279, %parallel_loop3A_285 : vector<16xf32>, vector<16xf32>, vector<16xf32>, vector<16xf32>
    } {sc.loop_unroll_factor = 4 : i64, sc.parallel_access}
    %mul3A_233 = arith.constant 65536 : i32
    %mul3A_234 = arith.muli %arg1, %mul3A_233 : i32
    %add3A_235 = arith.constant 49152 : i32
    %add3A_236 = arith.addi %mul3A_234, %add3A_235 : i32
    "tpu.region"() ({
      %run_scoped3A = tpu.sem_alloc : memref<!tpu.dma_semaphore, #tpu.memory_space<semaphore_mem>>
      %dma_start3A_257 = tpu.memref_slice %arg4[%add3A_236] : memref<1048704xf32, #tpu.memory_space<vmem_shared>> -> memref<16384xf32, #tpu.memory_space<vmem_shared>>
      %dma_start3A_258 = tpu.memref_slice %arg4[%add3A_236] : memref<1048704xf32, #tpu.memory_space<vmem_shared>> -> memref<16384xf32, #tpu.memory_space<vmem_shared>>
      tpu.enqueue_dma source(%dma_start3A_258 : memref<16384xf32, #tpu.memory_space<vmem_shared>>) target(%arg8 : memref<16384xf32, #tpu.memory_space<vmem>>) target_semaphore(%run_scoped3A : memref<!tpu.dma_semaphore, #tpu.memory_space<semaphore_mem>>)
      %dma_wait3A = tpu.memref_slice %arg4[%add3A_236] : memref<1048704xf32, #tpu.memory_space<vmem_shared>> -> memref<16384xf32, #tpu.memory_space<vmem_shared>>
      %dma_wait3A_259 = tpu.memref_slice %arg4[%add3A_236] : memref<1048704xf32, #tpu.memory_space<vmem_shared>> -> memref<16384xf32, #tpu.memory_space<vmem_shared>>
      tpu.wait_dma2 semaphore(%run_scoped3A : memref<!tpu.dma_semaphore, #tpu.memory_space<semaphore_mem>>) src(%dma_wait3A_259 : memref<16384xf32, #tpu.memory_space<vmem_shared>>) dst(%arg8 : memref<16384xf32, #tpu.memory_space<vmem>>)
      tpu.yield
    }) : () -> ()
    %parallel_loop3A_237 = arith.constant 0 : i32
    %parallel_loop3A_238 = arith.constant 256 : i32
    %parallel_loop3A_239 = arith.constant 1 : i32
    %parallel_loop3A_240:4 = scf.for %parallel_loop3A_257 = %parallel_loop3A_237 to %parallel_loop3A_238 step %parallel_loop3A_239 iter_args(%parallel_loop3A_258 = %parallel_loop3A_232#0, %parallel_loop3A_259 = %parallel_loop3A_232#1, %parallel_loop3A_260 = %parallel_loop3A_232#2, %parallel_loop3A_261 = %parallel_loop3A_232#3) -> (vector<16xf32>, vector<16xf32>, vector<16xf32>, vector<16xf32>)  : i32 {
      %parallel_loop3A_262 = arith.constant 64 : i32
      %parallel_loop3A_263 = arith.muli %parallel_loop3A_257, %parallel_loop3A_262 : i32
      %parallel_loop3A_264 = arith.index_cast %parallel_loop3A_263 : i32 to index
      %parallel_loop3A_265 = tpu.vector_load %arg8[%parallel_loop3A_264] {strides = array<i32>} : memref<16384xf32, #tpu.memory_space<vmem>>, vector<16xf32>,
      %parallel_loop3A_266 = vector.shape_cast %parallel_loop3A_265 : vector<16xf32> to vector<16xf32>
      %parallel_loop3A_267 = arith.addf %parallel_loop3A_258, %parallel_loop3A_266 : vector<16xf32>
      %parallel_loop3A_268 = arith.constant 16 : i32
      %parallel_loop3A_269 = arith.addi %parallel_loop3A_263, %parallel_loop3A_268 : i32
      %parallel_loop3A_270 = arith.index_cast %parallel_loop3A_269 : i32 to index
      %parallel_loop3A_271 = tpu.vector_load %arg8[%parallel_loop3A_270] {strides = array<i32>} : memref<16384xf32, #tpu.memory_space<vmem>>, vector<16xf32>,
      %parallel_loop3A_272 = vector.shape_cast %parallel_loop3A_271 : vector<16xf32> to vector<16xf32>
      %parallel_loop3A_273 = arith.addf %parallel_loop3A_259, %parallel_loop3A_272 : vector<16xf32>
      %parallel_loop3A_274 = arith.constant 32 : i32
      %parallel_loop3A_275 = arith.addi %parallel_loop3A_263, %parallel_loop3A_274 : i32
      %parallel_loop3A_276 = arith.index_cast %parallel_loop3A_275 : i32 to index
      %parallel_loop3A_277 = tpu.vector_load %arg8[%parallel_loop3A_276] {strides = array<i32>} : memref<16384xf32, #tpu.memory_space<vmem>>, vector<16xf32>,
      %parallel_loop3A_278 = vector.shape_cast %parallel_loop3A_277 : vector<16xf32> to vector<16xf32>
      %parallel_loop3A_279 = arith.addf %parallel_loop3A_260, %parallel_loop3A_278 : vector<16xf32>
      %parallel_loop3A_280 = arith.constant 48 : i32
      %parallel_loop3A_281 = arith.addi %parallel_loop3A_263, %parallel_loop3A_280 : i32
      %parallel_loop3A_282 = arith.index_cast %parallel_loop3A_281 : i32 to index
      %parallel_loop3A_283 = tpu.vector_load %arg8[%parallel_loop3A_282] {strides = array<i32>} : memref<16384xf32, #tpu.memory_space<vmem>>, vector<16xf32>,
      %parallel_loop3A_284 = vector.shape_cast %parallel_loop3A_283 : vector<16xf32> to vector<16xf32>
      %parallel_loop3A_285 = arith.addf %parallel_loop3A_261, %parallel_loop3A_284 : vector<16xf32>
      scf.yield %parallel_loop3A_267, %parallel_loop3A_273, %parallel_loop3A_279, %parallel_loop3A_285 : vector<16xf32>, vector<16xf32>, vector<16xf32>, vector<16xf32>
    } {sc.loop_unroll_factor = 4 : i64, sc.parallel_access}
    %swap3A_241 = arith.constant 0 : index
    %swap3A_242 = tpu.vector_load %arg9[%swap3A_241] {strides = array<i32>} : memref<64xf32, #tpu.memory_space<vmem>>, vector<16xf32>,
    %swap3A_243 = vector.shape_cast %swap3A_242 : vector<16xf32> to vector<16xf32>
    %swap3A_244 = vector.shape_cast %parallel_loop3A_240#0 : vector<16xf32> to vector<16xf32>
    tpu.vector_store %arg9[%swap3A_241], %swap3A_244 {strides = array<i32>} : memref<64xf32, #tpu.memory_space<vmem>>, vector<16xf32>,
    %swap3A_245 = arith.constant 16 : index
    %swap3A_246 = tpu.vector_load %arg9[%swap3A_245] {strides = array<i32>} : memref<64xf32, #tpu.memory_space<vmem>>, vector<16xf32>,
    %swap3A_247 = vector.shape_cast %swap3A_246 : vector<16xf32> to vector<16xf32>
    %swap3A_248 = vector.shape_cast %parallel_loop3A_240#1 : vector<16xf32> to vector<16xf32>
    tpu.vector_store %arg9[%swap3A_245], %swap3A_248 {strides = array<i32>} : memref<64xf32, #tpu.memory_space<vmem>>, vector<16xf32>,
    %swap3A_249 = arith.constant 32 : index
    %swap3A_250 = tpu.vector_load %arg9[%swap3A_249] {strides = array<i32>} : memref<64xf32, #tpu.memory_space<vmem>>, vector<16xf32>,
    %swap3A_251 = vector.shape_cast %swap3A_250 : vector<16xf32> to vector<16xf32>
    %swap3A_252 = vector.shape_cast %parallel_loop3A_240#2 : vector<16xf32> to vector<16xf32>
    tpu.vector_store %arg9[%swap3A_249], %swap3A_252 {strides = array<i32>} : memref<64xf32, #tpu.memory_space<vmem>>, vector<16xf32>,
    %swap3A_253 = arith.constant 48 : index
    %swap3A_254 = tpu.vector_load %arg9[%swap3A_253] {strides = array<i32>} : memref<64xf32, #tpu.memory_space<vmem>>, vector<16xf32>,
    %swap3A_255 = vector.shape_cast %swap3A_254 : vector<16xf32> to vector<16xf32>
    %swap3A_256 = vector.shape_cast %parallel_loop3A_240#3 : vector<16xf32> to vector<16xf32>
    tpu.vector_store %arg9[%swap3A_253], %swap3A_256 {strides = array<i32>} : memref<64xf32, #tpu.memory_space<vmem>>, vector<16xf32>,
    "tpu.region"() ({
      %run_scoped3A = tpu.sem_alloc : memref<!tpu.dma_semaphore, #tpu.memory_space<semaphore_mem>>
      %dma_start3A_257 = arith.constant 0 : i32
      %dma_start3A_258 = tpu.memref_slice %arg3[%add3A, %dma_start3A_257] : memref<32x64xf32, #tpu.memory_space<hbm>> -> memref<1x64xf32, #tpu.memory_space<hbm>>
      %dma_start3A_259 = tpu.memref_squeeze %dma_start3A_258 : memref<1x64xf32, #tpu.memory_space<hbm>> -> memref<64xf32, #tpu.memory_space<hbm>>
      %dma_start3A_260 = arith.constant 0 : i32
      %dma_start3A_261 = tpu.memref_slice %arg3[%add3A, %dma_start3A_260] : memref<32x64xf32, #tpu.memory_space<hbm>> -> memref<1x64xf32, #tpu.memory_space<hbm>>
      %dma_start3A_262 = tpu.memref_squeeze %dma_start3A_261 : memref<1x64xf32, #tpu.memory_space<hbm>> -> memref<64xf32, #tpu.memory_space<hbm>>
      tpu.enqueue_dma source(%arg9 : memref<64xf32, #tpu.memory_space<vmem>>) target(%dma_start3A_262 : memref<64xf32, #tpu.memory_space<hbm>>) target_semaphore(%run_scoped3A : memref<!tpu.dma_semaphore, #tpu.memory_space<semaphore_mem>>)
      %dma_wait3A = arith.constant 0 : i32
      %dma_wait3A_263 = tpu.memref_slice %arg3[%add3A, %dma_wait3A] : memref<32x64xf32, #tpu.memory_space<hbm>> -> memref<1x64xf32, #tpu.memory_space<hbm>>
      %dma_wait3A_264 = tpu.memref_squeeze %dma_wait3A_263 : memref<1x64xf32, #tpu.memory_space<hbm>> -> memref<64xf32, #tpu.memory_space<hbm>>
      %dma_wait3A_265 = arith.constant 0 : i32
      %dma_wait3A_266 = tpu.memref_slice %arg3[%add3A, %dma_wait3A_265] : memref<32x64xf32, #tpu.memory_space<hbm>> -> memref<1x64xf32, #tpu.memory_space<hbm>>
      %dma_wait3A_267 = tpu.memref_squeeze %dma_wait3A_266 : memref<1x64xf32, #tpu.memory_space<hbm>> -> memref<64xf32, #tpu.memory_space<hbm>>
      tpu.wait_dma2 semaphore(%run_scoped3A : memref<!tpu.dma_semaphore, #tpu.memory_space<semaphore_mem>>) src(%arg9 : memref<64xf32, #tpu.memory_space<vmem>>) dst(%dma_wait3A_267 : memref<64xf32, #tpu.memory_space<hbm>>)
      tpu.yield
    }) : () -> ()
    return
  }
}

module attributes {stable_mosaic.version = 14 : i64} {
  func.func @_idx_body(%arg0: i32, %arg1: memref<1x8x32768xf32, #tpu.memory_space<vmem>>, %arg2: memref<1x8x32768xf32, #tpu.memory_space<vmem>>, %arg3: memref<1x8x32768xf32, #tpu.memory_space<vmem>>, %arg4: memref<262144xi32, #tpu.memory_space<vmem>>) attributes {dimension_semantics = [#tpu.dimension_semantics<arbitrary>], iteration_bounds = array<i64: 8>, scalar_prefetch = 0 : i64, scratch_operands = 0 : i64, tpu.core_type = #tpu.core_type<tc>, window_params = [{transform_indices = @transform_0, window_bounds = array<i64: 1, 8, 32768>}, {transform_indices = @transform_1, window_bounds = array<i64: 1, 8, 32768>}, {transform_indices = @transform_2, window_bounds = array<i64: 1, 8, 32768>}, {transform_indices = @transform_3, window_bounds = array<i64: 262144>}]} {
    %get3A = arith.constant 0 : index
    %get3A_0 = arith.constant 0 : index
    %get3A_1 = arith.constant 0 : index
    %get3A_2 = vector.load %arg1[%get3A, %get3A_0, %get3A_1] : memref<1x8x32768xf32, #tpu.memory_space<vmem>>, vector<1x8x32768xf32>
    %get3A_3 = vector.shape_cast %get3A_2 : vector<1x8x32768xf32> to vector<8x32768xf32>
    %sub3A = arith.constant -2.000000e+00 : f32
    %sub3A_4 = vector.broadcast %sub3A : f32 to vector<8x32768xf32>
    %sub3A_5 = arith.subf %get3A_3, %sub3A_4 : vector<8x32768xf32>
    %mul3A = arith.constant 1.600000e+01 : f32
    %mul3A_6 = vector.broadcast %mul3A : f32 to vector<8x32768xf32>
    %mul3A_7 = arith.mulf %sub3A_5, %mul3A_6 : vector<8x32768xf32>
    %max3A = arith.constant 0.000000e+00 : f32
    %max3A_8 = vector.broadcast %max3A : f32 to vector<8x32768xf32>
    %max3A_9 = arith.maximumf %mul3A_7, %max3A_8 : vector<8x32768xf32>
    %min3A = arith.constant 6.300000e+01 : f32
    %min3A_10 = vector.broadcast %min3A : f32 to vector<8x32768xf32>
    %min3A_11 = arith.minimumf %max3A_9, %min3A_10 : vector<8x32768xf32>
    %convert_element_type3A = arith.fptosi %min3A_11 : vector<8x32768xf32> to vector<8x32768xi32>
    %ge3A = arith.constant 0.000000e+00 : f32
    %ge3A_12 = vector.broadcast %ge3A : f32 to vector<8x32768xf32>
    %ge3A_13 = arith.cmpf oge, %mul3A_7, %ge3A_12 : vector<8x32768xf32>
    %lt3A = arith.constant 6.400000e+01 : f32
    %lt3A_14 = vector.broadcast %lt3A : f32 to vector<8x32768xf32>
    %lt3A_15 = arith.cmpf olt, %mul3A_7, %lt3A_14 : vector<8x32768xf32>
    %and3A = arith.andi %ge3A_13, %lt3A_15 : vector<8x32768xi1>
    %get3A_16 = arith.constant 0 : index
    %get3A_17 = arith.constant 0 : index
    %get3A_18 = arith.constant 0 : index
    %get3A_19 = vector.load %arg2[%get3A_16, %get3A_17, %get3A_18] : memref<1x8x32768xf32, #tpu.memory_space<vmem>>, vector<1x8x32768xf32>
    %get3A_20 = vector.shape_cast %get3A_19 : vector<1x8x32768xf32> to vector<8x32768xf32>
    %sub3A_21 = arith.constant -2.000000e+00 : f32
    %sub3A_22 = vector.broadcast %sub3A_21 : f32 to vector<8x32768xf32>
    %sub3A_23 = arith.subf %get3A_20, %sub3A_22 : vector<8x32768xf32>
    %mul3A_24 = arith.constant 1.600000e+01 : f32
    %mul3A_25 = vector.broadcast %mul3A_24 : f32 to vector<8x32768xf32>
    %mul3A_26 = arith.mulf %sub3A_23, %mul3A_25 : vector<8x32768xf32>
    %max3A_27 = arith.constant 0.000000e+00 : f32
    %max3A_28 = vector.broadcast %max3A_27 : f32 to vector<8x32768xf32>
    %max3A_29 = arith.maximumf %mul3A_26, %max3A_28 : vector<8x32768xf32>
    %min3A_30 = arith.constant 6.300000e+01 : f32
    %min3A_31 = vector.broadcast %min3A_30 : f32 to vector<8x32768xf32>
    %min3A_32 = arith.minimumf %max3A_29, %min3A_31 : vector<8x32768xf32>
    %convert_element_type3A_33 = arith.fptosi %min3A_32 : vector<8x32768xf32> to vector<8x32768xi32>
    %ge3A_34 = arith.constant 0.000000e+00 : f32
    %ge3A_35 = vector.broadcast %ge3A_34 : f32 to vector<8x32768xf32>
    %ge3A_36 = arith.cmpf oge, %mul3A_26, %ge3A_35 : vector<8x32768xf32>
    %lt3A_37 = arith.constant 6.400000e+01 : f32
    %lt3A_38 = vector.broadcast %lt3A_37 : f32 to vector<8x32768xf32>
    %lt3A_39 = arith.cmpf olt, %mul3A_26, %lt3A_38 : vector<8x32768xf32>
    %and3A_40 = arith.andi %ge3A_36, %lt3A_39 : vector<8x32768xi1>
    %get3A_41 = arith.constant 0 : index
    %get3A_42 = arith.constant 0 : index
    %get3A_43 = arith.constant 0 : index
    %get3A_44 = vector.load %arg3[%get3A_41, %get3A_42, %get3A_43] : memref<1x8x32768xf32, #tpu.memory_space<vmem>>, vector<1x8x32768xf32>
    %get3A_45 = vector.shape_cast %get3A_44 : vector<1x8x32768xf32> to vector<8x32768xf32>
    %sub3A_46 = arith.constant -2.000000e+00 : f32
    %sub3A_47 = vector.broadcast %sub3A_46 : f32 to vector<8x32768xf32>
    %sub3A_48 = arith.subf %get3A_45, %sub3A_47 : vector<8x32768xf32>
    %mul3A_49 = arith.constant 1.600000e+01 : f32
    %mul3A_50 = vector.broadcast %mul3A_49 : f32 to vector<8x32768xf32>
    %mul3A_51 = arith.mulf %sub3A_48, %mul3A_50 : vector<8x32768xf32>
    %max3A_52 = arith.constant 0.000000e+00 : f32
    %max3A_53 = vector.broadcast %max3A_52 : f32 to vector<8x32768xf32>
    %max3A_54 = arith.maximumf %mul3A_51, %max3A_53 : vector<8x32768xf32>
    %min3A_55 = arith.constant 6.300000e+01 : f32
    %min3A_56 = vector.broadcast %min3A_55 : f32 to vector<8x32768xf32>
    %min3A_57 = arith.minimumf %max3A_54, %min3A_56 : vector<8x32768xf32>
    %convert_element_type3A_58 = arith.fptosi %min3A_57 : vector<8x32768xf32> to vector<8x32768xi32>
    %ge3A_59 = arith.constant 0.000000e+00 : f32
    %ge3A_60 = vector.broadcast %ge3A_59 : f32 to vector<8x32768xf32>
    %ge3A_61 = arith.cmpf oge, %mul3A_51, %ge3A_60 : vector<8x32768xf32>
    %lt3A_62 = arith.constant 6.400000e+01 : f32
    %lt3A_63 = vector.broadcast %lt3A_62 : f32 to vector<8x32768xf32>
    %lt3A_64 = arith.cmpf olt, %mul3A_51, %lt3A_63 : vector<8x32768xf32>
    %and3A_65 = arith.andi %ge3A_61, %lt3A_64 : vector<8x32768xi1>
    %and3A_66 = arith.andi %and3A, %and3A_40 : vector<8x32768xi1>
    %and3A_67 = arith.andi %and3A_66, %and3A_65 : vector<8x32768xi1>
    %iota3A = tpu.iota {dimensions = array<i32: 0>} : vector<8x32768xi32>
    %jit3A = arith.constant 4 : i32
    %eq3A = arith.constant 0 : i32
    %eq3A_68 = arith.cmpi eq, %jit3A, %eq3A : i32
    %jit3A_69 = arith.constant 1 : i32
    %select_n3A = arith.select %eq3A_68, %jit3A_69, %jit3A : i32
    %rem3A = vector.broadcast %select_n3A : i32 to vector<8x32768xi32>
    %rem3A_70 = arith.remsi %iota3A, %rem3A : vector<8x32768xi32>
    %ne3A = arith.constant 0 : i32
    %ne3A_71 = vector.broadcast %ne3A : i32 to vector<8x32768xi32>
    %ne3A_72 = arith.cmpi ne, %rem3A_70, %ne3A_71 : vector<8x32768xi32>
    %lt3A_73 = arith.constant 0 : i32
    %lt3A_74 = vector.broadcast %lt3A_73 : i32 to vector<8x32768xi32>
    %lt3A_75 = arith.cmpi slt, %rem3A_70, %lt3A_74 : vector<8x32768xi32>
    %lt3A_76 = arith.constant 0 : i32
    %lt3A_77 = arith.cmpi slt, %select_n3A, %lt3A_76 : i32
    %ne3A_78 = vector.broadcast %lt3A_77 : i1 to vector<8x32768xi1>
    %ne3A_79 = vector.broadcast %ne3A_78 : vector<8x32768xi1> to vector<8x32768xi1>
    %ne3A_80 = arith.xori %lt3A_75, %ne3A_79 : vector<8x32768xi1>
    %and3A_81 = arith.andi %ne3A_80, %ne3A_72 : vector<8x32768xi1>
    %add3A = vector.broadcast %select_n3A : i32 to vector<8x32768xi32>
    %add3A_82 = arith.addi %rem3A_70, %add3A : vector<8x32768xi32>
    %select_n3A_83 = arith.select %and3A_81, %add3A_82, %rem3A_70 : vector<8x32768xi1>, vector<8x32768xi32>
    %iota3A_84 = tpu.iota {dimensions = array<i32: 1>} : vector<8x32768xi32>
    %jit3A_85 = arith.constant 128 : i32
    %eq3A_86 = arith.constant 0 : i32
    %eq3A_87 = arith.cmpi eq, %jit3A_85, %eq3A_86 : i32
    %jit3A_88 = arith.constant 1 : i32
    %select_n3A_89 = arith.select %eq3A_87, %jit3A_88, %jit3A_85 : i32
    %rem3A_90 = vector.broadcast %select_n3A_89 : i32 to vector<8x32768xi32>
    %rem3A_91 = arith.remsi %iota3A_84, %rem3A_90 : vector<8x32768xi32>
    %ne3A_92 = arith.constant 0 : i32
    %ne3A_93 = vector.broadcast %ne3A_92 : i32 to vector<8x32768xi32>
    %ne3A_94 = arith.cmpi ne, %rem3A_91, %ne3A_93 : vector<8x32768xi32>
    %lt3A_95 = arith.constant 0 : i32
    %lt3A_96 = vector.broadcast %lt3A_95 : i32 to vector<8x32768xi32>
    %lt3A_97 = arith.cmpi slt, %rem3A_91, %lt3A_96 : vector<8x32768xi32>
    %lt3A_98 = arith.constant 0 : i32
    %lt3A_99 = arith.cmpi slt, %select_n3A_89, %lt3A_98 : i32
    %ne3A_100 = vector.broadcast %lt3A_99 : i1 to vector<8x32768xi1>
    %ne3A_101 = vector.broadcast %ne3A_100 : vector<8x32768xi1> to vector<8x32768xi1>
    %ne3A_102 = arith.xori %lt3A_97, %ne3A_101 : vector<8x32768xi1>
    %and3A_103 = arith.andi %ne3A_102, %ne3A_94 : vector<8x32768xi1>
    %add3A_104 = vector.broadcast %select_n3A_89 : i32 to vector<8x32768xi32>
    %add3A_105 = arith.addi %rem3A_91, %add3A_104 : vector<8x32768xi32>
    %select_n3A_106 = arith.select %and3A_103, %add3A_105, %rem3A_91 : vector<8x32768xi1>, vector<8x32768xi32>
    %mul3A_107 = arith.constant 262144 : i32
    %mul3A_108 = vector.broadcast %mul3A_107 : i32 to vector<8x32768xi32>
    %mul3A_109 = arith.muli %select_n3A_83, %mul3A_108 : vector<8x32768xi32>
    %mul3A_110 = arith.constant 4096 : i32
    %mul3A_111 = vector.broadcast %mul3A_110 : i32 to vector<8x32768xi32>
    %mul3A_112 = arith.muli %convert_element_type3A, %mul3A_111 : vector<8x32768xi32>
    %add3A_113 = arith.addi %mul3A_109, %mul3A_112 : vector<8x32768xi32>
    %mul3A_114 = arith.constant 64 : i32
    %mul3A_115 = vector.broadcast %mul3A_114 : i32 to vector<8x32768xi32>
    %mul3A_116 = arith.muli %convert_element_type3A_33, %mul3A_115 : vector<8x32768xi32>
    %add3A_117 = arith.addi %add3A_113, %mul3A_116 : vector<8x32768xi32>
    %add3A_118 = arith.addi %add3A_117, %convert_element_type3A_58 : vector<8x32768xi32>
    %add3A_119 = arith.constant 1048576 : i32
    %add3A_120 = vector.broadcast %add3A_119 : i32 to vector<8x32768xi32>
    %add3A_121 = arith.addi %add3A_120, %select_n3A_106 : vector<8x32768xi32>
    %select_n3A_122 = arith.select %and3A_67, %add3A_118, %add3A_121 : vector<8x32768xi1>, vector<8x32768xi32>
    %reshape3A = vector.shape_cast %select_n3A_122 : vector<8x32768xi32> to vector<262144xi32>
    %swap3A = arith.constant 0 : index
    %swap3A_123 = vector.load %arg4[%swap3A] : memref<262144xi32, #tpu.memory_space<vmem>>, vector<262144xi32>
    tpu.vector_store %arg4[%swap3A], %reshape3A {strides = array<i32>} : memref<262144xi32, #tpu.memory_space<vmem>>, vector<262144xi32>,
    return
  }
  func.func @transform_0(%arg0: i32) -> (i32, i32, i32) {
    %c0_i32 = arith.constant 0 : i32
    %c0_i32_0 = arith.constant 0 : i32
    %c0_i32_1 = arith.constant 0 : i32
    return %c0_i32, %c0_i32_0, %arg0 : i32, i32, i32
  }
  func.func @transform_1(%arg0: i32) -> (i32, i32, i32) {
    %c1_i32 = arith.constant 1 : i32
    %c0_i32 = arith.constant 0 : i32
    %c0_i32_0 = arith.constant 0 : i32
    return %c1_i32, %c0_i32, %arg0 : i32, i32, i32
  }
  func.func @transform_2(%arg0: i32) -> (i32, i32, i32) {
    %c2_i32 = arith.constant 2 : i32
    %c0_i32 = arith.constant 0 : i32
    %c0_i32_0 = arith.constant 0 : i32
    return %c2_i32, %c0_i32, %arg0 : i32, i32, i32
  }
  func.func @transform_3(%arg0: i32) -> i32 {
    %c0_i32 = arith.constant 0 : i32
    return %arg0 : i32
  }
}

module attributes {stable_mosaic.version = 14 : i64} {
  func.func @_fuse_body(%arg0: i32, %arg1: memref<1x64x512xf32, #tpu.memory_space<vmem>>, %arg2: memref<1x1x64xf32, #tpu.memory_space<vmem>>, %arg3: memref<1x256x64xf32, #tpu.memory_space<vmem>>, %arg4: memref<1x1x256xf32, #tpu.memory_space<vmem>>, %arg5: memref<1x512x32xf32, #tpu.memory_space<vmem>>, %arg6: memref<1x1x512xf32, #tpu.memory_space<vmem>>, %arg7: memref<1x1x128xf32, #tpu.memory_space<vmem>>, %arg8: memref<1x128x608xf32, #tpu.memory_space<vmem>>) attributes {dimension_semantics = [#tpu.dimension_semantics<arbitrary>], iteration_bounds = array<i64: 8>, scalar_prefetch = 0 : i64, scratch_operands = 0 : i64, tpu.core_type = #tpu.core_type<tc>, window_params = [{transform_indices = @transform_0, window_bounds = array<i64: 1, 64, 512>}, {transform_indices = @transform_1, window_bounds = array<i64: 1, 1, 64>}, {transform_indices = @transform_2, window_bounds = array<i64: 1, 256, 64>}, {transform_indices = @transform_3, window_bounds = array<i64: 1, 1, 256>}, {transform_indices = @transform_4, window_bounds = array<i64: 1, 512, 32>}, {transform_indices = @transform_5, window_bounds = array<i64: 1, 1, 512>}, {transform_indices = @transform_6, window_bounds = array<i64: 1, 1, 128>}, {transform_indices = @transform_7, window_bounds = array<i64: 1, 128, 608>}]} {
    %get3A = arith.constant 0 : index
    %get3A_0 = arith.constant 0 : index
    %get3A_1 = arith.constant 0 : index
    %get3A_2 = vector.load %arg7[%get3A, %get3A_0, %get3A_1] : memref<1x1x128xf32, #tpu.memory_space<vmem>>, vector<1x1x128xf32>
    %get3A_3 = vector.shape_cast %get3A_2 : vector<1x1x128xf32> to vector<128xf32>
    %get3A_4 = arith.constant 0 : index
    %get3A_5 = arith.constant 0 : index
    %get3A_6 = arith.constant 0 : index
    %get3A_7 = vector.load %arg2[%get3A_4, %get3A_5, %get3A_6] : memref<1x1x64xf32, #tpu.memory_space<vmem>>, vector<1x1x64xf32>
    %get3A_8 = vector.shape_cast %get3A_7 : vector<1x1x64xf32> to vector<64xf32>
    %get3A_9 = arith.constant 0 : index
    %get3A_10 = arith.constant 0 : index
    %get3A_11 = arith.constant 0 : index
    %get3A_12 = vector.load %arg1[%get3A_9, %get3A_10, %get3A_11] : memref<1x64x512xf32, #tpu.memory_space<vmem>>, vector<1x64x512xf32>
    %get3A_13 = vector.shape_cast %get3A_12 : vector<1x64x512xf32> to vector<64x512xf32>
    %broadcast_in_dim3A = vector.shape_cast %get3A_8 : vector<64xf32> to vector<1x64xf32>
    %broadcast_in_dim3A_14 = vector.shape_cast %get3A_3 : vector<128xf32> to vector<128x1xf32>
    %lt3A = vector.broadcast %broadcast_in_dim3A : vector<1x64xf32> to vector<128x64xf32>
    %lt3A_15 = vector.broadcast %broadcast_in_dim3A_14 : vector<128x1xf32> to vector<128x64xf32>
    %lt3A_16 = arith.cmpf olt, %lt3A, %lt3A_15 : vector<128x64xf32>
    %convert_element_type3A = arith.extui %lt3A_16 : vector<128x64xi1> to vector<128x64xi32>
    %reduce_sum3A = arith.constant dense<0> : vector<128xi32>
    %reduce_sum3A_17 = vector.multi_reduction <add>, %convert_element_type3A, %reduce_sum3A [1] : vector<128x64xi32> to vector<128xi32>
    %jit3A = arith.constant 1 : i32
    %jit3A_18 = arith.constant 63 : i32
    %max3A = vector.broadcast %jit3A : i32 to vector<128xi32>
    %max3A_19 = arith.maxsi %max3A, %reduce_sum3A_17 : vector<128xi32>
    %min3A = vector.broadcast %jit3A_18 : i32 to vector<128xi32>
    %min3A_20 = arith.minsi %min3A, %max3A_19 : vector<128xi32>
    %iota3A = tpu.iota {dimensions = array<i32: 1>} : vector<128x64xi32>
    %sub3A = arith.constant 1 : i32
    %sub3A_21 = vector.broadcast %sub3A : i32 to vector<128xi32>
    %sub3A_22 = arith.subi %min3A_20, %sub3A_21 : vector<128xi32>
    %broadcast_in_dim3A_23 = vector.shape_cast %sub3A_22 : vector<128xi32> to vector<128x1xi32>
    %eq3A = vector.broadcast %broadcast_in_dim3A_23 : vector<128x1xi32> to vector<128x64xi32>
    %eq3A_24 = arith.cmpi eq, %iota3A, %eq3A : vector<128x64xi32>
    %convert_element_type3A_25 = arith.extui %eq3A_24 : vector<128x64xi1> to vector<128x64xi32>
    %convert_element_type3A_26 = arith.sitofp %convert_element_type3A_25 : vector<128x64xi32> to vector<128x64xf32>
    %broadcast_in_dim3A_27 = vector.shape_cast %min3A_20 : vector<128xi32> to vector<128x1xi32>
    %eq3A_28 = vector.broadcast %broadcast_in_dim3A_27 : vector<128x1xi32> to vector<128x64xi32>
    %eq3A_29 = arith.cmpi eq, %iota3A, %eq3A_28 : vector<128x64xi32>
    %convert_element_type3A_30 = arith.extui %eq3A_29 : vector<128x64xi1> to vector<128x64xi32>
    %convert_element_type3A_31 = arith.sitofp %convert_element_type3A_30 : vector<128x64xi32> to vector<128x64xf32>
    %broadcast_in_dim3A_32 = vector.shape_cast %get3A_8 : vector<64xf32> to vector<1x64xf32>
    %mul3A = vector.broadcast %broadcast_in_dim3A_32 : vector<1x64xf32> to vector<128x64xf32>
    %mul3A_33 = arith.mulf %convert_element_type3A_26, %mul3A : vector<128x64xf32>
    %reduce_sum3A_34 = arith.constant dense<0.000000e+00> : vector<128xf32>
    %reduce_sum3A_35 = vector.multi_reduction <add>, %mul3A_33, %reduce_sum3A_34 [1] : vector<128x64xf32> to vector<128xf32>
    %broadcast_in_dim3A_36 = vector.shape_cast %get3A_8 : vector<64xf32> to vector<1x64xf32>
    %mul3A_37 = vector.broadcast %broadcast_in_dim3A_36 : vector<1x64xf32> to vector<128x64xf32>
    %mul3A_38 = arith.mulf %convert_element_type3A_31, %mul3A_37 : vector<128x64xf32>
    %reduce_sum3A_39 = arith.constant dense<0.000000e+00> : vector<128xf32>
    %reduce_sum3A_40 = vector.multi_reduction <add>, %mul3A_38, %reduce_sum3A_39 [1] : vector<128x64xf32> to vector<128xf32>
    %sub3A_41 = arith.subf %get3A_3, %reduce_sum3A_35 : vector<128xf32>
    %sub3A_42 = arith.subf %reduce_sum3A_40, %reduce_sum3A_35 : vector<128xf32>
    %add3A = arith.constant 9.99999993E-9 : f32
    %add3A_43 = vector.broadcast %add3A : f32 to vector<128xf32>
    %add3A_44 = arith.addf %sub3A_42, %add3A_43 : vector<128xf32>
    %div3A = arith.divf %sub3A_41, %add3A_44 : vector<128xf32>
    %jit3A_45 = arith.constant 0.000000e+00 : f32
    %jit3A_46 = arith.constant 1.000000e+00 : f32
    %max3A_47 = vector.broadcast %jit3A_45 : f32 to vector<128xf32>
    %max3A_48 = arith.maximumf %max3A_47, %div3A : vector<128xf32>
    %min3A_49 = vector.broadcast %jit3A_46 : f32 to vector<128xf32>
    %min3A_50 = arith.minimumf %min3A_49, %max3A_48 : vector<128xf32>
    %sub3A_51 = arith.constant 1.000000e+00 : f32
    %sub3A_52 = vector.broadcast %sub3A_51 : f32 to vector<128xf32>
    %sub3A_53 = arith.subf %sub3A_52, %min3A_50 : vector<128xf32>
    %broadcast_in_dim3A_54 = vector.shape_cast %sub3A_53 : vector<128xf32> to vector<128x1xf32>
    %mul3A_55 = vector.broadcast %broadcast_in_dim3A_54 : vector<128x1xf32> to vector<128x64xf32>
    %mul3A_56 = arith.mulf %convert_element_type3A_26, %mul3A_55 : vector<128x64xf32>
    %broadcast_in_dim3A_57 = vector.shape_cast %min3A_50 : vector<128xf32> to vector<128x1xf32>
    %mul3A_58 = vector.broadcast %broadcast_in_dim3A_57 : vector<128x1xf32> to vector<128x64xf32>
    %mul3A_59 = arith.mulf %convert_element_type3A_31, %mul3A_58 : vector<128x64xf32>
    %add3A_60 = arith.addf %mul3A_56, %mul3A_59 : vector<128x64xf32>
    %dot_general3A = arith.constant dense<0.000000e+00> : vector<128x512xf32>
    %dot_general3A_61 = tpu.matmul %add3A_60, %get3A_13, %dot_general3A {dimension_numbers = #tpu.dot_dimension_numbers<[1], [0], [0], [1], [0, 0, 1, 1], [], []>, precision = #tpu.contract_precision<fp32>, transpose_lhs_hint = false} : vector<128x64xf32>, vector<64x512xf32>, vector<128x512xf32> -> vector<128x512xf32>
    %get3A_62 = arith.constant 0 : index
    %get3A_63 = arith.constant 0 : index
    %get3A_64 = arith.constant 0 : index
    %get3A_65 = vector.load %arg4[%get3A_62, %get3A_63, %get3A_64] : memref<1x1x256xf32, #tpu.memory_space<vmem>>, vector<1x1x256xf32>
    %get3A_66 = vector.shape_cast %get3A_65 : vector<1x1x256xf32> to vector<256xf32>
    %get3A_67 = arith.constant 0 : index
    %get3A_68 = arith.constant 0 : index
    %get3A_69 = arith.constant 0 : index
    %get3A_70 = vector.load %arg3[%get3A_67, %get3A_68, %get3A_69] : memref<1x256x64xf32, #tpu.memory_space<vmem>>, vector<1x256x64xf32>
    %get3A_71 = vector.shape_cast %get3A_70 : vector<1x256x64xf32> to vector<256x64xf32>
    %broadcast_in_dim3A_72 = vector.shape_cast %get3A_66 : vector<256xf32> to vector<1x256xf32>
    %broadcast_in_dim3A_73 = vector.shape_cast %get3A_3 : vector<128xf32> to vector<128x1xf32>
    %lt3A_74 = vector.broadcast %broadcast_in_dim3A_72 : vector<1x256xf32> to vector<128x256xf32>
    %lt3A_75 = vector.broadcast %broadcast_in_dim3A_73 : vector<128x1xf32> to vector<128x256xf32>
    %lt3A_76 = arith.cmpf olt, %lt3A_74, %lt3A_75 : vector<128x256xf32>
    %convert_element_type3A_77 = arith.extui %lt3A_76 : vector<128x256xi1> to vector<128x256xi32>
    %reduce_sum3A_78 = arith.constant dense<0> : vector<128xi32>
    %reduce_sum3A_79 = vector.multi_reduction <add>, %convert_element_type3A_77, %reduce_sum3A_78 [1] : vector<128x256xi32> to vector<128xi32>
    %jit3A_80 = arith.constant 1 : i32
    %jit3A_81 = arith.constant 255 : i32
    %max3A_82 = vector.broadcast %jit3A_80 : i32 to vector<128xi32>
    %max3A_83 = arith.maxsi %max3A_82, %reduce_sum3A_79 : vector<128xi32>
    %min3A_84 = vector.broadcast %jit3A_81 : i32 to vector<128xi32>
    %min3A_85 = arith.minsi %min3A_84, %max3A_83 : vector<128xi32>
    %iota3A_86 = tpu.iota {dimensions = array<i32: 1>} : vector<128x256xi32>
    %sub3A_87 = arith.constant 1 : i32
    %sub3A_88 = vector.broadcast %sub3A_87 : i32 to vector<128xi32>
    %sub3A_89 = arith.subi %min3A_85, %sub3A_88 : vector<128xi32>
    %broadcast_in_dim3A_90 = vector.shape_cast %sub3A_89 : vector<128xi32> to vector<128x1xi32>
    %eq3A_91 = vector.broadcast %broadcast_in_dim3A_90 : vector<128x1xi32> to vector<128x256xi32>
    %eq3A_92 = arith.cmpi eq, %iota3A_86, %eq3A_91 : vector<128x256xi32>
    %convert_element_type3A_93 = arith.extui %eq3A_92 : vector<128x256xi1> to vector<128x256xi32>
    %convert_element_type3A_94 = arith.sitofp %convert_element_type3A_93 : vector<128x256xi32> to vector<128x256xf32>
    %broadcast_in_dim3A_95 = vector.shape_cast %min3A_85 : vector<128xi32> to vector<128x1xi32>
    %eq3A_96 = vector.broadcast %broadcast_in_dim3A_95 : vector<128x1xi32> to vector<128x256xi32>
    %eq3A_97 = arith.cmpi eq, %iota3A_86, %eq3A_96 : vector<128x256xi32>
    %convert_element_type3A_98 = arith.extui %eq3A_97 : vector<128x256xi1> to vector<128x256xi32>
    %convert_element_type3A_99 = arith.sitofp %convert_element_type3A_98 : vector<128x256xi32> to vector<128x256xf32>
    %broadcast_in_dim3A_100 = vector.shape_cast %get3A_66 : vector<256xf32> to vector<1x256xf32>
    %mul3A_101 = vector.broadcast %broadcast_in_dim3A_100 : vector<1x256xf32> to vector<128x256xf32>
    %mul3A_102 = arith.mulf %convert_element_type3A_94, %mul3A_101 : vector<128x256xf32>
    %reduce_sum3A_103 = arith.constant dense<0.000000e+00> : vector<128xf32>
    %reduce_sum3A_104 = vector.multi_reduction <add>, %mul3A_102, %reduce_sum3A_103 [1] : vector<128x256xf32> to vector<128xf32>
    %broadcast_in_dim3A_105 = vector.shape_cast %get3A_66 : vector<256xf32> to vector<1x256xf32>
    %mul3A_106 = vector.broadcast %broadcast_in_dim3A_105 : vector<1x256xf32> to vector<128x256xf32>
    %mul3A_107 = arith.mulf %convert_element_type3A_99, %mul3A_106 : vector<128x256xf32>
    %reduce_sum3A_108 = arith.constant dense<0.000000e+00> : vector<128xf32>
    %reduce_sum3A_109 = vector.multi_reduction <add>, %mul3A_107, %reduce_sum3A_108 [1] : vector<128x256xf32> to vector<128xf32>
    %sub3A_110 = arith.subf %get3A_3, %reduce_sum3A_104 : vector<128xf32>
    %sub3A_111 = arith.subf %reduce_sum3A_109, %reduce_sum3A_104 : vector<128xf32>
    %add3A_112 = arith.constant 9.99999993E-9 : f32
    %add3A_113 = vector.broadcast %add3A_112 : f32 to vector<128xf32>
    %add3A_114 = arith.addf %sub3A_111, %add3A_113 : vector<128xf32>
    %div3A_115 = arith.divf %sub3A_110, %add3A_114 : vector<128xf32>
    %jit3A_116 = arith.constant 0.000000e+00 : f32
    %jit3A_117 = arith.constant 1.000000e+00 : f32
    %max3A_118 = vector.broadcast %jit3A_116 : f32 to vector<128xf32>
    %max3A_119 = arith.maximumf %max3A_118, %div3A_115 : vector<128xf32>
    %min3A_120 = vector.broadcast %jit3A_117 : f32 to vector<128xf32>
    %min3A_121 = arith.minimumf %min3A_120, %max3A_119 : vector<128xf32>
    %sub3A_122 = arith.constant 1.000000e+00 : f32
    %sub3A_123 = vector.broadcast %sub3A_122 : f32 to vector<128xf32>
    %sub3A_124 = arith.subf %sub3A_123, %min3A_121 : vector<128xf32>
    %broadcast_in_dim3A_125 = vector.shape_cast %sub3A_124 : vector<128xf32> to vector<128x1xf32>
    %mul3A_126 = vector.broadcast %broadcast_in_dim3A_125 : vector<128x1xf32> to vector<128x256xf32>
    %mul3A_127 = arith.mulf %convert_element_type3A_94, %mul3A_126 : vector<128x256xf32>
    %broadcast_in_dim3A_128 = vector.shape_cast %min3A_121 : vector<128xf32> to vector<128x1xf32>
    %mul3A_129 = vector.broadcast %broadcast_in_dim3A_128 : vector<128x1xf32> to vector<128x256xf32>
    %mul3A_130 = arith.mulf %convert_element_type3A_99, %mul3A_129 : vector<128x256xf32>
    %add3A_131 = arith.addf %mul3A_127, %mul3A_130 : vector<128x256xf32>
    %dot_general3A_132 = arith.constant dense<0.000000e+00> : vector<128x64xf32>
    %dot_general3A_133 = tpu.matmul %add3A_131, %get3A_71, %dot_general3A_132 {dimension_numbers = #tpu.dot_dimension_numbers<[1], [0], [0], [1], [0, 0, 1, 1], [], []>, precision = #tpu.contract_precision<fp32>, transpose_lhs_hint = false} : vector<128x256xf32>, vector<256x64xf32>, vector<128x64xf32> -> vector<128x64xf32>
    %get3A_134 = arith.constant 0 : index
    %get3A_135 = arith.constant 0 : index
    %get3A_136 = arith.constant 0 : index
    %get3A_137 = vector.load %arg6[%get3A_134, %get3A_135, %get3A_136] : memref<1x1x512xf32, #tpu.memory_space<vmem>>, vector<1x1x512xf32>
    %get3A_138 = vector.shape_cast %get3A_137 : vector<1x1x512xf32> to vector<512xf32>
    %get3A_139 = arith.constant 0 : index
    %get3A_140 = arith.constant 0 : index
    %get3A_141 = arith.constant 0 : index
    %get3A_142 = vector.load %arg5[%get3A_139, %get3A_140, %get3A_141] : memref<1x512x32xf32, #tpu.memory_space<vmem>>, vector<1x512x32xf32>
    %get3A_143 = vector.shape_cast %get3A_142 : vector<1x512x32xf32> to vector<512x32xf32>
    %broadcast_in_dim3A_144 = vector.shape_cast %get3A_138 : vector<512xf32> to vector<1x512xf32>
    %broadcast_in_dim3A_145 = vector.shape_cast %get3A_3 : vector<128xf32> to vector<128x1xf32>
    %lt3A_146 = vector.broadcast %broadcast_in_dim3A_144 : vector<1x512xf32> to vector<128x512xf32>
    %lt3A_147 = vector.broadcast %broadcast_in_dim3A_145 : vector<128x1xf32> to vector<128x512xf32>
    %lt3A_148 = arith.cmpf olt, %lt3A_146, %lt3A_147 : vector<128x512xf32>
    %convert_element_type3A_149 = arith.extui %lt3A_148 : vector<128x512xi1> to vector<128x512xi32>
    %reduce_sum3A_150 = arith.constant dense<0> : vector<128xi32>
    %reduce_sum3A_151 = vector.multi_reduction <add>, %convert_element_type3A_149, %reduce_sum3A_150 [1] : vector<128x512xi32> to vector<128xi32>
    %jit3A_152 = arith.constant 1 : i32
    %jit3A_153 = arith.constant 511 : i32
    %max3A_154 = vector.broadcast %jit3A_152 : i32 to vector<128xi32>
    %max3A_155 = arith.maxsi %max3A_154, %reduce_sum3A_151 : vector<128xi32>
    %min3A_156 = vector.broadcast %jit3A_153 : i32 to vector<128xi32>
    %min3A_157 = arith.minsi %min3A_156, %max3A_155 : vector<128xi32>
    %iota3A_158 = tpu.iota {dimensions = array<i32: 1>} : vector<128x512xi32>
    %sub3A_159 = arith.constant 1 : i32
    %sub3A_160 = vector.broadcast %sub3A_159 : i32 to vector<128xi32>
    %sub3A_161 = arith.subi %min3A_157, %sub3A_160 : vector<128xi32>
    %broadcast_in_dim3A_162 = vector.shape_cast %sub3A_161 : vector<128xi32> to vector<128x1xi32>
    %eq3A_163 = vector.broadcast %broadcast_in_dim3A_162 : vector<128x1xi32> to vector<128x512xi32>
    %eq3A_164 = arith.cmpi eq, %iota3A_158, %eq3A_163 : vector<128x512xi32>
    %convert_element_type3A_165 = arith.extui %eq3A_164 : vector<128x512xi1> to vector<128x512xi32>
    %convert_element_type3A_166 = arith.sitofp %convert_element_type3A_165 : vector<128x512xi32> to vector<128x512xf32>
    %broadcast_in_dim3A_167 = vector.shape_cast %min3A_157 : vector<128xi32> to vector<128x1xi32>
    %eq3A_168 = vector.broadcast %broadcast_in_dim3A_167 : vector<128x1xi32> to vector<128x512xi32>
    %eq3A_169 = arith.cmpi eq, %iota3A_158, %eq3A_168 : vector<128x512xi32>
    %convert_element_type3A_170 = arith.extui %eq3A_169 : vector<128x512xi1> to vector<128x512xi32>
    %convert_element_type3A_171 = arith.sitofp %convert_element_type3A_170 : vector<128x512xi32> to vector<128x512xf32>
    %broadcast_in_dim3A_172 = vector.shape_cast %get3A_138 : vector<512xf32> to vector<1x512xf32>
    %mul3A_173 = vector.broadcast %broadcast_in_dim3A_172 : vector<1x512xf32> to vector<128x512xf32>
    %mul3A_174 = arith.mulf %convert_element_type3A_166, %mul3A_173 : vector<128x512xf32>
    %reduce_sum3A_175 = arith.constant dense<0.000000e+00> : vector<128xf32>
    %reduce_sum3A_176 = vector.multi_reduction <add>, %mul3A_174, %reduce_sum3A_175 [1] : vector<128x512xf32> to vector<128xf32>
    %broadcast_in_dim3A_177 = vector.shape_cast %get3A_138 : vector<512xf32> to vector<1x512xf32>
    %mul3A_178 = vector.broadcast %broadcast_in_dim3A_177 : vector<1x512xf32> to vector<128x512xf32>
    %mul3A_179 = arith.mulf %convert_element_type3A_171, %mul3A_178 : vector<128x512xf32>
    %reduce_sum3A_180 = arith.constant dense<0.000000e+00> : vector<128xf32>
    %reduce_sum3A_181 = vector.multi_reduction <add>, %mul3A_179, %reduce_sum3A_180 [1] : vector<128x512xf32> to vector<128xf32>
    %sub3A_182 = arith.subf %get3A_3, %reduce_sum3A_176 : vector<128xf32>
    %sub3A_183 = arith.subf %reduce_sum3A_181, %reduce_sum3A_176 : vector<128xf32>
    %add3A_184 = arith.constant 9.99999993E-9 : f32
    %add3A_185 = vector.broadcast %add3A_184 : f32 to vector<128xf32>
    %add3A_186 = arith.addf %sub3A_183, %add3A_185 : vector<128xf32>
    %div3A_187 = arith.divf %sub3A_182, %add3A_186 : vector<128xf32>
    %jit3A_188 = arith.constant 0.000000e+00 : f32
    %jit3A_189 = arith.constant 1.000000e+00 : f32
    %max3A_190 = vector.broadcast %jit3A_188 : f32 to vector<128xf32>
    %max3A_191 = arith.maximumf %max3A_190, %div3A_187 : vector<128xf32>
    %min3A_192 = vector.broadcast %jit3A_189 : f32 to vector<128xf32>
    %min3A_193 = arith.minimumf %min3A_192, %max3A_191 : vector<128xf32>
    %sub3A_194 = arith.constant 1.000000e+00 : f32
    %sub3A_195 = vector.broadcast %sub3A_194 : f32 to vector<128xf32>
    %sub3A_196 = arith.subf %sub3A_195, %min3A_193 : vector<128xf32>
    %broadcast_in_dim3A_197 = vector.shape_cast %sub3A_196 : vector<128xf32> to vector<128x1xf32>
    %mul3A_198 = vector.broadcast %broadcast_in_dim3A_197 : vector<128x1xf32> to vector<128x512xf32>
    %mul3A_199 = arith.mulf %convert_element_type3A_166, %mul3A_198 : vector<128x512xf32>
    %broadcast_in_dim3A_200 = vector.shape_cast %min3A_193 : vector<128xf32> to vector<128x1xf32>
    %mul3A_201 = vector.broadcast %broadcast_in_dim3A_200 : vector<128x1xf32> to vector<128x512xf32>
    %mul3A_202 = arith.mulf %convert_element_type3A_171, %mul3A_201 : vector<128x512xf32>
    %add3A_203 = arith.addf %mul3A_199, %mul3A_202 : vector<128x512xf32>
    %dot_general3A_204 = arith.constant dense<0.000000e+00> : vector<128x32xf32>
    %dot_general3A_205 = tpu.matmul %add3A_203, %get3A_143, %dot_general3A_204 {dimension_numbers = #tpu.dot_dimension_numbers<[1], [0], [0], [1], [0, 0, 1, 1], [], []>, precision = #tpu.contract_precision<fp32>, transpose_lhs_hint = false} : vector<128x512xf32>, vector<512x32xf32>, vector<128x32xf32> -> vector<128x32xf32>
    %concatenate3A = tpu.concatenate %dot_general3A_61, %dot_general3A_133, %dot_general3A_205 in 1 : vector<128x512xf32>, vector<128x64xf32>, vector<128x32xf32> -> vector<128x608xf32>
    %swap3A = arith.constant 0 : index
    %swap3A_206 = arith.constant 0 : index
    %swap3A_207 = arith.constant 0 : index
    %swap3A_208 = vector.load %arg8[%swap3A, %swap3A_206, %swap3A_207] : memref<1x128x608xf32, #tpu.memory_space<vmem>>, vector<1x128x608xf32>
    %swap3A_209 = vector.shape_cast %swap3A_208 : vector<1x128x608xf32> to vector<128x608xf32>
    %swap3A_210 = vector.shape_cast %concatenate3A : vector<128x608xf32> to vector<1x128x608xf32>
    tpu.vector_store %arg8[%swap3A, %swap3A_206, %swap3A_207], %swap3A_210 {strides = array<i32>} : memref<1x128x608xf32, #tpu.memory_space<vmem>>, vector<1x128x608xf32>,
    return
  }
  func.func @transform_0(%arg0: i32) -> (i32, i32, i32) {
    %c0_i32 = arith.constant 0 : i32
    %c0_i32_0 = arith.constant 0 : i32
    %c0_i32_1 = arith.constant 0 : i32
    return %arg0, %c0_i32, %c0_i32_0 : i32, i32, i32
  }
  func.func @transform_1(%arg0: i32) -> (i32, i32, i32) {
    %c0_i32 = arith.constant 0 : i32
    %c0_i32_0 = arith.constant 0 : i32
    %c0_i32_1 = arith.constant 0 : i32
    return %arg0, %c0_i32, %c0_i32_0 : i32, i32, i32
  }
  func.func @transform_2(%arg0: i32) -> (i32, i32, i32) {
    %c0_i32 = arith.constant 0 : i32
    %c0_i32_0 = arith.constant 0 : i32
    %c0_i32_1 = arith.constant 0 : i32
    return %arg0, %c0_i32, %c0_i32_0 : i32, i32, i32
  }
  func.func @transform_3(%arg0: i32) -> (i32, i32, i32) {
    %c0_i32 = arith.constant 0 : i32
    %c0_i32_0 = arith.constant 0 : i32
    %c0_i32_1 = arith.constant 0 : i32
    return %arg0, %c0_i32, %c0_i32_0 : i32, i32, i32
  }
  func.func @transform_4(%arg0: i32) -> (i32, i32, i32) {
    %c0_i32 = arith.constant 0 : i32
    %c0_i32_0 = arith.constant 0 : i32
    %c0_i32_1 = arith.constant 0 : i32
    return %arg0, %c0_i32, %c0_i32_0 : i32, i32, i32
  }
  func.func @transform_5(%arg0: i32) -> (i32, i32, i32) {
    %c0_i32 = arith.constant 0 : i32
    %c0_i32_0 = arith.constant 0 : i32
    %c0_i32_1 = arith.constant 0 : i32
    return %arg0, %c0_i32, %c0_i32_0 : i32, i32, i32
  }
  func.func @transform_6(%arg0: i32) -> (i32, i32, i32) {
    %c0_i32 = arith.constant 0 : i32
    %c0_i32_0 = arith.constant 0 : i32
    %c0_i32_1 = arith.constant 0 : i32
    return %arg0, %c0_i32, %c0_i32_0 : i32, i32, i32
  }
  func.func @transform_7(%arg0: i32) -> (i32, i32, i32) {
    %c0_i32 = arith.constant 0 : i32
    %c0_i32_0 = arith.constant 0 : i32
    %c0_i32_1 = arith.constant 0 : i32
    return %arg0, %c0_i32, %c0_i32_0 : i32, i32, i32
  }
}

module attributes {stable_mosaic.version = 14 : i64} {
  func.func @_summ_body(%arg0: i32, %arg1: memref<32x64xf32, #tpu.memory_space<vmem>>, %arg2: memref<1x128x64xf32, #tpu.memory_space<vmem>>) attributes {dimension_semantics = [#tpu.dimension_semantics<arbitrary>], iteration_bounds = array<i64: 8>, scalar_prefetch = 0 : i64, scratch_operands = 0 : i64, tpu.core_type = #tpu.core_type<tc>, window_params = [{pipeline_mode = #tpu.pipeline_mode<synchronous>, transform_indices = @transform_0, window_bounds = array<i64: 32, 64>}, {transform_indices = @transform_1, window_bounds = array<i64: 1, 128, 64>}]} {
    %get3A = arith.constant 0 : index
    %get3A_0 = arith.constant 0 : index
    %get3A_1 = vector.load %arg1[%get3A, %get3A_0] : memref<32x64xf32, #tpu.memory_space<vmem>>, vector<32x64xf32>
    %reduce_sum3A = arith.constant dense<0.000000e+00> : vector<64xf32>
    %reduce_sum3A_2 = vector.multi_reduction <add>, %get3A_1, %reduce_sum3A [0] : vector<32x64xf32> to vector<64xf32>
    %mul3A = arith.constant 3.05175781E-5 : f32
    %mul3A_3 = vector.broadcast %mul3A : f32 to vector<64xf32>
    %mul3A_4 = arith.mulf %reduce_sum3A_2, %mul3A_3 : vector<64xf32>
    %broadcast_in_dim3A = vector.shape_cast %mul3A_4 : vector<64xf32> to vector<1x64xf32>
    %broadcast_in_dim3A_5 = vector.shape_cast %broadcast_in_dim3A : vector<1x64xf32> to vector<1x64xf32>
    %broadcast_in_dim3A_6 = vector.broadcast %broadcast_in_dim3A_5 : vector<1x64xf32> to vector<128x64xf32>
    %swap3A = arith.constant 0 : index
    %swap3A_7 = arith.constant 0 : index
    %swap3A_8 = arith.constant 0 : index
    %swap3A_9 = vector.load %arg2[%swap3A, %swap3A_7, %swap3A_8] : memref<1x128x64xf32, #tpu.memory_space<vmem>>, vector<1x128x64xf32>
    %swap3A_10 = vector.shape_cast %swap3A_9 : vector<1x128x64xf32> to vector<128x64xf32>
    %swap3A_11 = vector.shape_cast %broadcast_in_dim3A_6 : vector<128x64xf32> to vector<1x128x64xf32>
    tpu.vector_store %arg2[%swap3A, %swap3A_7, %swap3A_8], %swap3A_11 {strides = array<i32>} : memref<1x128x64xf32, #tpu.memory_space<vmem>>, vector<1x128x64xf32>,
    return
  }
  func.func @transform_0(%arg0: i32) -> (i32, i32) {
    %c0_i32 = arith.constant 0 : i32
    %c0_i32_0 = arith.constant 0 : i32
    %c0_i32_1 = arith.constant 0 : i32
    return %c0_i32, %c0_i32_0 : i32, i32
  }
  func.func @transform_1(%arg0: i32) -> (i32, i32, i32) {
    %c0_i32 = arith.constant 0 : i32
    %c0_i32_0 = arith.constant 0 : i32
    %c0_i32_1 = arith.constant 0 : i32
    return %arg0, %c0_i32, %c0_i32_0 : i32, i32, i32
  }
}

</mosaic_0001>

<sc_bundles>
// kernel: kernel.6.cloned.1.call-start
scs
__scs_entry_jumppad:
0x0: {  	(pc) =	sbr.rel $0x88, $3  }
0x1: {  	(tag) =	ssettag $0x0;
	lr =	simm.s32 $0x1  }
0x2: {  	[smem:$0x3F99] =	sst lr;
	_ =	strace $0xD0000000  }
0x3: {  	_ = 	snop  }
0x4: {  	_ = 	snop  }
0x5: {  	_ = 	snop  }
0x6: {  	_ = 	snop  }
0x7: {  	_ = 	snop  }
__scs_overlays_trampoline_lowered:
0x8: {  	[smem:$0x3FA8] =	sst s0  }
0x9: {  	[smem:$0x3FA9] =	sst s1  }
0xa: {  	[smem:$0x3FAA] =	sst s2  }
0xb: {  	[smem:$0x3FAB] =	sst s3  }
0xc: {  	[smem:$0x3FAC] =	sst s4  }
0xd: {  	[smem:$0x3FAD] =	sst s5  }
0xe: {  	[smem:$0x3FAE] =	sst s6  }
0xf: {  	[smem:$0x3FAF] =	sst s7  }
0x10: {  	[smem:$0x3FB0] =	sst s8  }
0x11: {  	[smem:$0x3FB1] =	sst s9;
	s0 =	simm.s32 @!p0 $0x0  }
0x12: {  	s1 =	sld [smem:$0x3F97];
	s0 =	simm.s32 @p0 $0x1  }
0x13: {  	[smem:$0x3FB2] =	sst s0;
	s0 =	simm.s32 @!p1 $0x0  }
0x14: {  	s2 =	sld [smem:$0x3F96];
	s0 =	simm.s32 @p1 $0x1  }
0x15: {  	[smem:$0x3FB3] =	sst s0;
	s0 =	simm.s32 @!p2 $0x0  }
0x16: {  	s3 =	sld [smem:$0x3FDB];
	s0 =	simm.s32 @p2 $0x1  }
0x17: {  	s4 =	simm.s32 $0x1BF5;
	[smem:$0x3FB5] =	sst s0  }
0x18: {  	s0 =	sld [smem:$0x3F98];
	_ =	swait.ge [sflag:s4], $0x0  }
0x19: {  	s7 =	sld [smem:$0x3F99]  }
0x1a: {  	s8 =	sadd.s32 $0xFFFFE003, lr  }
0x1b: {  	s9 =	sadd.s32 $0xFFFFFEF7, lr;
	s5 =	simm.s32 $0xFFFFFFFF;
	p2 =	slt.u32 s8, $0xFFFFF086  }
0x1c: {  	p1 =	slt.u32 s9, $0xF7A;
	s5 =	simm.s32 @!p2 $0x0  }
0x1d: {  	s5 =	simm.s32 @p1 $0x1;
	p0 =	seq.s32 s7, s2  }
0x1e: {  	s7 =	smul.u32 @!p0 $0xF7A, s2;
	p2 =	seq.s32 @!p0 s5, $0x0  }
0x1f: {  	s9 =	smul.u32 $0xF7A, s1;
	s8 =	simm.s32 @!p0 $0x1BF5;
	p2 =	por !p2, p0  }
0x20: {  	[sflag:s8] =	ssyncset.s32 @!p0 $0xFFFFF086;
	s6 =	sadd.s32 @!p0 s3, s7;
	s7 =	simm.s32 @!p0 $0x108  }
0x21: {  	s3 =	sadd.s32 s3, s9;
	s6 =	sadd.s32 @!p0 $0x88, s6;
	s7 =	simm.s32 @p2 $0x1082  }
0x22: {  	[simem:s7], [sflag:s8] =	dma.local @!p0 [hbm:s6], $0xF7A  }
0x23: {  	s9 =	sor.u32 $0xD0000000, s2;
	s6 =	simm.s32 $0x108;
	_ =	swait.ge @!p0 [sflag:s8], $0x0  }
0x24: {  	s3 =	sadd.s32 $0x88, s3;
	s6 =	simm.s32 @!p1 $0x1082;
	[sflag:s4] =	ssyncset.s32 $0xFFFFF086  }
0x25: {  	[simem:s6], [sflag:s4] =	dma.local [hbm:s3], $0xF7A  }
0x26: {  	[smem:$0x3F99] =	sst s1;
	(tag) =	ssettag s2;
	_ =	strace s9  }
0x27: {  	s1 =	sld [smem:$0x3FA9]  }
0x28: {  	s2 =	sld [smem:$0x3FAA]  }
0x29: {  	s4 =	sld [smem:$0x3FAC]  }
0x2a: {  	p0 =	seq.s32 s5, $0x0;
	s5 =	sld [smem:$0x3FAD]  }
0x2b: {  	s6 =	sld [smem:$0x3FAE]  }
0x2c: {  	s7 =	sld [smem:$0x3FAF]  }
0x2d: {  	s3 =	simm.s32 $0x108;
	s8 =	sld [smem:$0x3FB0]  }
0x2e: {  	s3 =	simm.s32 @!p0 $0x1082;
	s9 =	sld [smem:$0x3FB1]  }
0x2f: {  	lr =	sadd.s32 s0, s3;
	s0 =	sld [smem:$0x3FA8]  }
0x30: {  	s3 =	sld [smem:$0x3FAB]  }
0x31: {  	[smem:$0x3FB4] =	sst s10  }
0x32: {  	s10 =	sld [smem:$0x3FB2];
	_ =	sdelay $0x3  }
0x33: {  	p0 =	seq.s32 s10, $0x1;
	s10 =	sld [smem:$0x3FB4];
	_ =	sdelay $0x3  }
0x34: {  	[smem:$0x3FB4] =	sst s10  }
0x35: {  	s10 =	sld [smem:$0x3FB3];
	_ =	sdelay $0x3  }
0x36: {  	p1 =	seq.s32 s10, $0x1;
	s10 =	sld [smem:$0x3FB4];
	_ =	sdelay $0x3  }
0x37: {  	[smem:$0x3FB4] =	sst s10  }
0x38: {  	s10 =	sld [smem:$0x3FB5]  }
0x39: {  	_ = 	snop;
	(pc) =	sbr.ind lr, $3  }
0x3a: {  	_ = 	snop  }
0x3b: {  	_ = 	snop  }
0x3c: {  	p2 =	seq.s32 s10, $0x1;
	s10 =	sld [smem:$0x3FB4]  }
0x3d: {  	_ =	shalt  }
0x3e: {  	_ =	shalt  }
0x3f: {  	_ =	shalt  }
0x40: {  	_ =	shalt  }
0x41: {  	_ =	shalt  }
0x42: {  	_ =	shalt  }
0x43: {  	_ =	shalt  }
0x44: {  	_ =	shalt  }
0x45: {  	_ =	shalt  }
0x46: {  	_ =	shalt  }
0x47: {  	_ =	shalt  }
0x48: {  	_ =	shalt  }
0x49: {  	_ =	shalt  }
0x4a: {  	_ =	shalt  }
0x4b: {  	_ =	shalt  }
0x4c: {  	_ =	shalt  }
0x4d: {  	_ =	shalt  }
0x4e: {  	_ =	shalt  }
0x4f: {  	_ =	shalt  }
0x50: {  	_ =	shalt  }
0x51: {  	_ =	shalt  }
0x52: {  	_ =	shalt  }
0x53: {  	_ =	shalt  }
0x54: {  	_ =	shalt  }
0x55: {  	_ =	shalt  }
0x56: {  	_ =	shalt  }
0x57: {  	_ =	shalt  }
0x58: {  	_ =	shalt  }
0x59: {  	_ =	shalt  }
0x5a: {  	_ =	shalt  }
0x5b: {  	_ =	shalt  }
0x5c: {  	_ =	shalt  }
0x5d: {  	_ =	shalt  }
0x5e: {  	_ =	shalt  }
0x5f: {  	_ =	shalt  }
0x60: {  	_ =	shalt  }
0x61: {  	_ =	shalt  }
0x62: {  	_ =	shalt  }
0x63: {  	_ =	shalt  }
0x64: {  	_ =	shalt  }
0x65: {  	_ =	shalt  }
0x66: {  	_ =	shalt  }
0x67: {  	_ =	shalt  }
0x68: {  	_ =	shalt  }
0x69: {  	_ =	shalt  }
0x6a: {  	_ =	shalt  }
0x6b: {  	_ =	shalt  }
0x6c: {  	_ =	shalt  }
0x6d: {  	_ =	shalt  }
0x6e: {  	_ =	shalt  }
0x6f: {  	_ =	shalt  }
0x70: {  	_ =	shalt  }
0x71: {  	_ =	shalt  }
0x72: {  	_ =	shalt  }
0x73: {  	_ =	shalt  }
0x74: {  	_ =	shalt  }
0x75: {  	_ =	shalt  }
0x76: {  	_ =	shalt  }
0x77: {  	_ =	shalt  }
0x78: {  	_ =	shalt  }
0x79: {  	_ =	shalt  }
0x7a: {  	_ =	shalt  }
0x7b: {  	_ =	shalt  }
0x7c: {  	_ =	shalt  }
0x7d: {  	_ =	shalt  }
0x7e: {  	_ =	shalt  }
0x7f: {  	_ =	shalt  }
0x80: {  	_ =	shalt  }
0x81: {  	_ =	shalt  }
0x82: {  	_ =	shalt  }
0x83: {  	_ =	shalt  }
0x84: {  	_ =	shalt  }
0x85: {  	_ =	shalt  }
0x86: {  	_ =	shalt  }
0x87: {  	_ =	shalt  }
.Lfunc_end0:
.L_simem_size_0:
called_computation_lowered:
.L_overlay_start_0:
0x88: {  	s2 =	sld [smem:$0x3FD9]  }
0x89: {  	s3 =	sld [smem:$0x3FFE];
	_ =	sdelay $0x1  }
0x8a: {  	s1 =	srdreg.scid  }
0x8b: {  	s0 =	sand.u32 $0x1, s1  }
0x8c: {  	s17 =	sshll.u32 s0, $0xA;
	s2 =	sadd.s32 s3, s2  }
0x8d: {  	s2 =	sadd.s32 s2, s17  }
0x8e: {  	[smem:$0x3FC0] =	sst s2  }
0x8f: {  	_ = 	snop  }
0x90: {  	s2 =	sld [smem:$0x3FD0];
	(tm) =	ssettm $0x1  }
0x91: {  	s18 =	sld [smem:$0x3FFB];
	_ =	sdelay $0x3  }
0x92: {  	_ =	strace s18  }
0x93: {  	s3 =	sld [smem:$0x3FFC];
	_ =	sdelay $0x3  }
0x94: {  	_ =	strace s3  }
0x95: {  	s3 =	sld [smem:$0x3FFD];
	_ =	sdelay $0x3  }
0x96: {  	_ =	strace s3  }
0x97: {  	_ =	strace $0x8FFFFFFF  }
0x98: {  	s19 =	sld [smem:$0x3FDB];
	_ =	sdelay $0x1  }
0x99: {  	s4 =	simm.s32 $_scs_section_size  }
0x9a: {  	s5 =	simm.s32 $_size__tile_overlayer_lowered;
	s6 =	simm.s32 $_tile_overlayer_lowered  }
0x9b: {  	s22 =	simm.s32 $0x1BFF;
	s21 =	sshll.u32 s6, $0x1;
	s3 =	sadd.s32 s4, s19  }
0x9c: {  	s7 =	simm.s32 $0x0;
	s20 =	sshll.u32 s5, $0x1;
	s5 =	sadd.s32 s21, s3  }
0x9d: {  	[timem:s7], [sflag:s22] =	dma.local [hbm:s5], s20  }
0x9e: {  	_ =	swait.ge [sflag:s22], s20  }
0x9f: {  	s4 =	ssub.s32 $0x0, s20;
	[sflag:s22] =	ssyncset.done $0x0  }
0xa0: {  	[sflag:s22] =	ssyncadd.s32 s4;
	_ =	sdelay $0x1  }
0xa1: {  	s23 =	simm.s32 $0x1B8B  }
0xa2: {  	_ =	swait.ge [sflag:s23], $0x1  }
0xa3: {  	[sflag:s23] =	ssyncset.done $0x0  }
0xa4: {  	s25 =	simm.s32 $0x1B8E;
	s24 =	sld [smem:$0x3FFE];
	[sflag:s23] =	ssyncadd.s32 $0xFFFFFFFF  }
0xa5: {  	s26 =	simm.s32 $execute0_lowered;
	[smem:$0x3FD2] =	sst s25  }
0xa6: {  	s5 =	sshll.u32 s26, $0x1;
	_ =	strace $0x80000046;
	[dreg:$0x1] =	wrdreg $0xFFFFFFFF  }
0xa7: {  	s28 =	simm.s32 $_size_execute0_lowered;
	s3 =	sadd.s32 s3, s5;
	[dreg:$0x0] =	wrdreg $0x0  }
0xa8: {  	s5 =	sshll.u32 s28, $0x1;
	[dreg:$0x2] =	wrdreg s3  }
0xa9: {  	[dreg:$0x3] =	wrdreg s5  }
0xaa: {  	[dreg:$0x4] =	wrdreg $0xC0  }
0xab: {  	_ =	task [dreg:s7], $0x5FFFF  }
0xac: {  	[dreg:$0x1] =	wrdreg $0xFFFFFFFF  }
0xad: {  	[dreg:$0x0] =	wrdreg $0x60  }
0xae: {  	[dreg:$0x2] =	wrdreg s24  }
0xaf: {  	[dreg:$0x3] =	wrdreg s2  }
0xb0: {  	[dreg:$0x4] =	wrdreg $0x0  }
0xb1: {  	[dreg:$0x5] =	wrdreg $0x9  }
0xb2: {  	_ =	task.clear_ibuf [dreg:s7], $0x6FFFF;
	_ =	strace $0x90000046  }
0xb3: {  	s29 =	simm.s32 $0x9;
	_ =	strace $0x80000048  }
0xb4: {  	_ =	swait.ge [sflag:s29], $0x1  }
0xb5: {  	[sflag:s29] =	ssyncadd.s32 $0xFFFFFFFF  }
0xb6: {  	_ =	strace $0x90000048  }
0xb7: {  	_ =	sfence  }
0xb8: {  	s30 =	sld [smem:$0x0];
	_ =	sdelay $0x2  }
0xb9: {  	s31 =	sshll.u32 s1, $0xD;
	s1 =	sshrl.u32 s1, $0x2  }
0xba: {  	s3 =	sand.u32 $0x4000, s31;
	s1 =	sadd.s32 s1, s30  }
0xbb: {  	s0 =	sor.u32 s3, s0;
	s1 =	sshll.u32 s1, $0x11  }
0xbc: {  	s0 =	sor.u32 s1, s0  }
0xbd: {  	s0 =	sadd.s32 $0x8F2B, s0  }
0xbe: {  	[sflag:s0] =	ssyncadd.remote.s32 $0x1  }
0xbf: {  	_ =	sfence.sel $0xFFFF  }
0xc0: {  	[dreg:$0x0] =	wrdreg $0xFFFFFFFF;
	(pc) =	sbr.abs _section_cstart, $3  }
0xc1: {  	[dreg:$0x1] =	wrdreg $0xFFFFFFFF  }
0xc2: {  	_ =	task.clear_ibuf [dreg:s7], $0x2FFFF;
	_ =	strace $0x9FFFFFFF  }
0xc3: {  	(tm) =	ssettm $0x7FFFFFFF  }
tec
execute0_lowered:
.L_overlay_start_1:
0x0: {  	(tag) =	ssettag $0x1  }
0x1: {  	s0 =	rddreg [dreg:$0x0]  }
0x2: {  	s14 =	rddreg [dreg:$0x1]  }
0x3: {  	s1 =	rddreg [dreg:$0x2]  }
0x4: {  	s2 =	simm.s32 $0x0;
	s3 =	srdreg.scid;
	s31 =	stileid.u32  }
0x5: {  	s16 =	simm.s32 $0x10208;
	s18 =	simm.s32 $0x10408;
	s19 =	simm.s32 $0x10608  }
0x6: {  	s20 =	simm.s32 $0x10808;
	s21 =	simm.s32 $0x10A08;
	[smem:$0x7FF] =	sst s2  }
0x7: {  	s22 =	simm.s32 $0x10C08;
	_ =	strace $0x80000047;
	[dreg:$0x4] =	wrdreg s16  }
0x8: {  	s23 =	simm.s32 $0x10E08;
	s24 =	simm.s32 $0x11208;
	[dreg:$0x5] =	wrdreg s18  }
0x9: {  	s25 =	simm.s32 $0x11408;
	s26 =	simm.s32 $0x11608;
	[dreg:$0x6] =	wrdreg s19  }
0xa: {  	s28 =	simm.s32 $0x11808;
	s29 =	simm.s32 $0x11A08;
	[dreg:$0x7] =	wrdreg s20  }
0xb: {  	s30 =	simm.s32 $0x11C08;
	s15 =	sand.u32 $0x1, s3;
	[dreg:$0x8] =	wrdreg s21  }
0xc: {  	s4 =	sadd.s32 $0x1600, s0;
	s6 =	sshll.u32 s31, $0x10;
	[dreg:$0x9] =	wrdreg s22  }
0xd: {  	s10 =	sshll.u32 s31, $0xE;
	s5 =	ssub.s32 $0x2, s15;
	[dreg:$0xa] =	wrdreg s23  }
0xe: {  	s7 =	sshll.u32 s15, $0x2;
	s11 =	sand.u32 $0x38000, s10;
	[dreg:$0xb] =	wrdreg s24  }
0xf: {  	s15 =	sshll.u32 s15, $0x8;
	s16 =	simm.s32 $0x12208;
	[dreg:$0xc] =	wrdreg s25  }
0x10: {  	s18 =	simm.s32 $0x10008;
	s19 =	simm.s32 $0x1;
	[dreg:$0xd] =	wrdreg s26  }
0x11: {  	s20 =	simm.s32 $0x11008;
	s21 =	simm.s32 $0x200;
	[dreg:$0xe] =	wrdreg s28  }
0x12: {  	s22 =	simm.s32 $0x12008;
	[dreg:$0xf] =	wrdreg s29;
	s23 =	simm.s32 $0x2  }
0x13: {  	[dreg:$0x10] =	wrdreg s30;
	s25 =	simm.s32 $0x0;
	s17 =	sshrl.u32 s5, $0x1  }
0x14: {  	s11 =	sadd.s32 s4, s11;
	s0 =	ssub.s32 s5, s17;
	s5 =	sadd.s32 s6, s1  }
0x15: {  	s6 =	sshll.u32 s31, $0x1;
	s17 =	sshll.u32 s31, $0x4;
	s31 =	simm.s32 $0x11E08  }
0x16: {  	s8 =	sand.u32 $0x2, s6;
	s9 =	sadd.s32 $0x4000, s5;
	s10 =	sadd.s32 $0x8000, s5  }
0x17: {  	s14 =	sadd.s32 s14, s17;
	s17 =	simm.s32 $0x3;
	s12 =	sor.u32 s7, s8  }
0x18: {  	[dreg:$0x11] =	wrdreg s31;
	s14 =	sadd.s32 s15, s14;
	s13 =	sshll.u32 s12, $0xC  }
0x19: {  	v0 =	vimm.f32 $0.0e+00;
	v1 =	vimm.f32 $1.000000000e+00;
	s15 =	smax.u32 s0, $0x1;
	s12 =	sadd.s32 $0xC000, s5;
	s13 =	sadd.s32 s13, s11  }
.LBB2_1:
0x1a: {  	s26 =	simm.s32 $0x12248  }
0x1b: {  	[tilespmem:s26+$0xFFFFFFC0] =	vst v0  }
0x1c: {  	[tilespmem:s26+$0x30] =	vst v0  }
0x1d: {  	[tilespmem:s26+$0x20] =	vst v0  }
0x1e: {  	[tilespmem:s26+$0x10] =	vst v0  }
0x1f: {  	[tilespmem:s26+$0x0] =	vst v0  }
0x20: {  	[tilespmem:s26+$0xFFFFFFF0] =	vst v0  }
0x21: {  	s28 =	simm.s32 $0x0;
	[tilespmem:s26+$0xFFFFFFE0] =	vst v0  }
.LBB2_2:
0x22: {  	s28 =	sadd.s32 $0x8, s28;
	[tilespmem:s26+$0xFFFFFFD0] =	vst v0;
	s26 =	sadd.s32 $0x80, s26  }
0x23: {  	[tilespmem:s26+$0xFFFFFFC0] =	vst v0;
	p0 =	slt.u32 s28, $0x3F8  }
0x24: {  	[tilespmem:s26+$0x30] =	vst v0  }
.Ltmp0:
0x25: {  	[tilespmem:s26+$0x20] =	vst v0;
	(pc) =	sbr.rel @p0 .LBB2_2-.Ltmp0, $4  }
0x26: {  	[tilespmem:s26+$0x10] =	vst v0  }
0x27: {  	[tilespmem:s26+$0x0] =	vst v0  }
0x28: {  	[tilespmem:s26+$0xFFFFFFF0] =	vst v0  }
0x29: {  	[tilespmem:s26+$0xFFFFFFE0] =	vst v0  }
0x2a: {  	[tilespmem:s26+$0xFFFFFFD0] =	vst v0  }
0x2b: {  	[tilespmem:$0x12008] =	vst v1  }
0x2c: {  	[tilespmem:$0x12018] =	vst v1  }
0x2d: {  	[tilespmem:$0x12028] =	vst v1  }
0x2e: {  	[tilespmem:$0x12038] =	vst v1  }
0x2f: {  	[tilespmem:$0x12048] =	vst v1  }
0x30: {  	[tilespmem:$0x12058] =	vst v1  }
0x31: {  	[tilespmem:$0x12068] =	vst v1  }
0x32: {  	[tilespmem:$0x12078] =	vst v1  }
0x33: {  	[tilespmem:$0x12088] =	vst v1  }
0x34: {  	[tilespmem:$0x12098] =	vst v1  }
0x35: {  	[tilespmem:$0x120A8] =	vst v1  }
0x36: {  	[tilespmem:$0x120B8] =	vst v1  }
0x37: {  	[tilespmem:$0x120C8] =	vst v1  }
0x38: {  	[tilespmem:$0x120D8] =	vst v1  }
0x39: {  	[tilespmem:$0x120E8] =	vst v1  }
0x3a: {  	[tilespmem:$0x120F8] =	vst v1  }
0x3b: {  	[tilespmem:$0x12108] =	vst v1  }
0x3c: {  	[tilespmem:$0x12118] =	vst v1  }
0x3d: {  	[tilespmem:$0x12128] =	vst v1  }
0x3e: {  	[tilespmem:$0x12138] =	vst v1  }
0x3f: {  	[tilespmem:$0x12148] =	vst v1  }
0x40: {  	[tilespmem:$0x12158] =	vst v1  }
0x41: {  	[tilespmem:$0x12168] =	vst v1  }
0x42: {  	[tilespmem:$0x12178] =	vst v1  }
0x43: {  	[tilespmem:$0x12188] =	vst v1  }
0x44: {  	[tilespmem:$0x12198] =	vst v1  }
0x45: {  	[tilespmem:$0x121A8] =	vst v1  }
0x46: {  	[tilespmem:$0x121B8] =	vst v1  }
0x47: {  	[tilespmem:$0x121C8] =	vst v1  }
0x48: {  	[tilespmem:$0x121D8] =	vst v1  }
0x49: {  	[tilespmem:$0x121E8] =	vst v1  }
0x4a: {  	[tilespmem:$0x121F8] =	vst v1  }
0x4b: {  	[spmem:s5] =	stream.linear.scatter [tilespmem:s16], [sflag:$0x3], $0x4000, $0x38;
	[tilespmem:$0x16288] =	vst v63  }
0x4c: {  	_ =	swait.ge [sflag:s17], $0x4000  }
0x4d: {  	[sflag:s17] =	ssyncset.done $0x0  }
0x4e: {  	[sflag:s17] =	ssyncadd.s32 $0xFFFFC000  }
0x4f: {  	[spmem:s9] =	stream.linear.scatter [tilespmem:s16], [sflag:$0x3], $0x4000, $0x38;
	[tilespmem:$0x16288] =	vst v63  }
0x50: {  	_ =	swait.ge [sflag:s17], $0x4000  }
0x51: {  	[sflag:s17] =	ssyncset.done $0x0  }
0x52: {  	[sflag:s17] =	ssyncadd.s32 $0xFFFFC000  }
0x53: {  	[spmem:s10] =	stream.linear.scatter [tilespmem:s16], [sflag:$0x3], $0x4000, $0x38;
	[tilespmem:$0x16288] =	vst v63  }
0x54: {  	_ =	swait.ge [sflag:s17], $0x4000  }
0x55: {  	[sflag:s17] =	ssyncset.done $0x0  }
0x56: {  	[sflag:s17] =	ssyncadd.s32 $0xFFFFC000  }
0x57: {  	[spmem:s12] =	stream.linear.scatter [tilespmem:s16], [sflag:$0x3], $0x4000, $0x38;
	[tilespmem:$0x16288] =	vst v63  }
0x58: {  	_ =	swait.ge [sflag:s17], $0x4000  }
0x59: {  	[sflag:s17] =	ssyncset.done $0x0  }
0x5a: {  	s0 =	simm.s32 $0x0;
	s3 =	simm.s32 $0x0;
	[sflag:s17] =	ssyncadd.s32 $0xFFFFC000  }
0x5b: {  	[tilespmem:s18], [sflag:$0x1] =	stream.linear.gather [hbm4b:s13+s0], $0x1000, $0x38;
	[tilespmem:$0x16288] =	vst v63  }
0x5c: {  	s24 =	simm.s32 $0x0;
	s0 =	sor.u32 s3, s8  }
0x5d: {  	s26 =	sand.u32 $0xC00, s24;
	[bflag:$0x0] =	sbarrier.arrive $0xFFFF;
	s0 =	sadd.s32 s7, s0  }
0x5e: {  	s26 =	sadd.s32 s26, s11;
	s0 =	sshll.u32 s0, $0xC;
	_ =	swait.ge [sflag:s19], $0x1000  }
0x5f: {  	s0 =	sadd.s32 s0, s26;
	[sflag:s19] =	ssyncset.done $0x0  }
0x60: {  	s0 =	sadd.s32 $0x200, s0;
	[sflag:s19] =	ssyncadd.s32 $0xFFFFF000  }
0x61: {  	[tilespmem:s20], [sflag:$0x1] =	stream.linear.gather [hbm4b:s0+s2], $0x1000, $0x38;
	[tilespmem:$0x16288] =	vst v63  }
0x62: {  	_ = 	snop  }
0x63: {  	[spmem:s1] =	stream.indirect.scatter [tilespmem:s22], [sflag:$0x2], $0x1, s18, s21, $0xb8;
	[tilespmem:$0x16288] =	vst v63  }
0x64: {  	s26 =	rddreg [dreg:$0x4]  }
0x65: {  	[spmem:s1] =	stream.indirect.scatter [tilespmem:s22], [sflag:$0x2], $0x1, s26, s21, $0xb8;
	[tilespmem:$0x16288] =	vst v63  }
0x66: {  	s3 =	rddreg [dreg:$0x5]  }
0x67: {  	[spmem:s1] =	stream.indirect.scatter [tilespmem:s22], [sflag:$0x2], $0x1, s3, s21, $0xb8;
	[tilespmem:$0x16288] =	vst v63  }
0x68: {  	s24 =	rddreg [dreg:$0x6]  }
0x69: {  	[spmem:s1] =	stream.indirect.scatter [tilespmem:s22], [sflag:$0x2], $0x1, s24, s21, $0xb8;
	[tilespmem:$0x16288] =	vst v63  }
0x6a: {  	s3 =	rddreg [dreg:$0x7]  }
0x6b: {  	[spmem:s1] =	stream.indirect.scatter [tilespmem:s22], [sflag:$0x2], $0x1, s3, s21, $0xb8;
	[tilespmem:$0x16288] =	vst v63  }
0x6c: {  	s24 =	rddreg [dreg:$0x8]  }
0x6d: {  	[spmem:s1] =	stream.indirect.scatter [tilespmem:s22], [sflag:$0x2], $0x1, s24, s21, $0xb8;
	[tilespmem:$0x16288] =	vst v63  }
0x6e: {  	s3 =	rddreg [dreg:$0x9]  }
0x6f: {  	[spmem:s1] =	stream.indirect.scatter [tilespmem:s22], [sflag:$0x2], $0x1, s3, s21, $0xb8;
	[tilespmem:$0x16288] =	vst v63  }
0x70: {  	s24 =	rddreg [dreg:$0xa]  }
0x71: {  	[spmem:s1] =	stream.indirect.scatter [tilespmem:s22], [sflag:$0x2], $0x1, s24, s21, $0xb8;
	[tilespmem:$0x16288] =	vst v63  }
0x72: {  	_ =	swait.ge [sflag:s23], $0x200  }
0x73: {  	[sflag:s23] =	ssyncset.done $0x0  }
0x74: {  	[sflag:s23] =	ssyncadd.s32 $0xFFFFFE00  }
0x75: {  	_ =	swait.ge [sflag:s23], $0x200  }
0x76: {  	[sflag:s23] =	ssyncset.done $0x0  }
0x77: {  	[sflag:s23] =	ssyncadd.s32 $0xFFFFFE00  }
0x78: {  	_ =	swait.ge [sflag:s23], $0x200  }
0x79: {  	[sflag:s23] =	ssyncset.done $0x0  }
0x7a: {  	[sflag:s23] =	ssyncadd.s32 $0xFFFFFE00  }
0x7b: {  	_ =	swait.ge [sflag:s23], $0x200  }
0x7c: {  	[sflag:s23] =	ssyncset.done $0x0  }
0x7d: {  	[sflag:s23] =	ssyncadd.s32 $0xFFFFFE00  }
0x7e: {  	_ =	swait.ge [sflag:s23], $0x200  }
0x7f: {  	[sflag:s23] =	ssyncset.done $0x0  }
0x80: {  	[sflag:s23] =	ssyncadd.s32 $0xFFFFFE00  }
0x81: {  	_ =	swait.ge [sflag:s23], $0x200  }
0x82: {  	[sflag:s23] =	ssyncset.done $0x0  }
0x83: {  	[sflag:s23] =	ssyncadd.s32 $0xFFFFFE00  }
0x84: {  	_ =	swait.ge [sflag:s23], $0x200  }
0x85: {  	p0 =	por $0x0, $0x0;
	[sflag:s23] =	ssyncset.done $0x0  }
0x86: {  	s28 =	sadd.s32 @!p0 $0x0, s6;
	[sflag:s23] =	ssyncadd.s32 $0xFFFFFE00  }
0x87: {  	s29 =	sshll.u32 @!p0 s28, $0xD;
	s28 =	sand.u32 @!p0 $0x3, s28;
	_ =	swait.ge [sflag:s23], $0x200  }
0x88: {  	s29 =	sand.u32 @!p0 $0xFFF8000, s29;
	s0 =	simm.s32 $0x400;
	[sflag:s23] =	ssyncset.done $0x0  }
0x89: {  	s28 =	sor.u32 @!p0 s7, s28;
	s0 =	sand.u32 @!p0 $0xC00, s0;
	[sflag:s23] =	ssyncadd.s32 $0xFFFFFE00  }
0x8a: {  	s28 =	sshll.u32 @!p0 s28, $0xC;
	s0 =	sadd.s32 @!p0 s4, s0;
	_ =	swait.ge [sflag:s19], $0x1000  }
0x8b: {  	s0 =	sadd.s32 @!p0 s29, s0;
	s29 =	simm.s32 @!p0 $0x10008;
	[sflag:s19] =	ssyncset.done $0x0  }
0x8c: {  	s26 =	simm.s32 @!p0 $0x0;
	s0 =	sadd.s32 @!p0 s28, s0;
	[sflag:s19] =	ssyncadd.s32 $0xFFFFF000  }
0x8d: {  	[tilespmem:s29], [sflag:$0x1] =	stream.linear.gather @!p0 [hbm4b:s0+s26], $0x1000, $0x38;
	[tilespmem:$0x16288] =	vst v63  }
0x8e: {  	_ = 	snop  }
0x8f: {  	[spmem:s1] =	stream.indirect.scatter [tilespmem:s22], [sflag:$0x2], $0x1, s20, s21, $0xb8;
	[tilespmem:$0x16288] =	vst v63  }
0x90: {  	s3 =	rddreg [dreg:$0xb]  }
0x91: {  	[spmem:s1] =	stream.indirect.scatter [tilespmem:s22], [sflag:$0x2], $0x1, s3, s21, $0xb8;
	[tilespmem:$0x16288] =	vst v63  }
0x92: {  	s24 =	rddreg [dreg:$0xc]  }
0x93: {  	[spmem:s1] =	stream.indirect.scatter [tilespmem:s22], [sflag:$0x2], $0x1, s24, s21, $0xb8;
	[tilespmem:$0x16288] =	vst v63  }
0x94: {  	s3 =	rddreg [dreg:$0xd]  }
0x95: {  	[spmem:s1] =	stream.indirect.scatter [tilespmem:s22], [sflag:$0x2], $0x1, s3, s21, $0xb8;
	[tilespmem:$0x16288] =	vst v63  }
0x96: {  	s24 =	rddreg [dreg:$0xe]  }
0x97: {  	[spmem:s1] =	stream.indirect.scatter [tilespmem:s22], [sflag:$0x2], $0x1, s24, s21, $0xb8;
	[tilespmem:$0x16288] =	vst v63  }
0x98: {  	s3 =	rddreg [dreg:$0xf]  }
0x99: {  	[spmem:s1] =	stream.indirect.scatter [tilespmem:s22], [sflag:$0x2], $0x1, s3, s21, $0xb8;
	[tilespmem:$0x16288] =	vst v63  }
0x9a: {  	s24 =	rddreg [dreg:$0x10]  }
0x9b: {  	[spmem:s1] =	stream.indirect.scatter [tilespmem:s22], [sflag:$0x2], $0x1, s24, s21, $0xb8;
	[tilespmem:$0x16288] =	vst v63  }
0x9c: {  	s3 =	rddreg [dreg:$0x11]  }
0x9d: {  	[spmem:s1] =	stream.indirect.scatter [tilespmem:s22], [sflag:$0x2], $0x1, s3, s21, $0xb8;
	[tilespmem:$0x16288] =	vst v63  }
0x9e: {  	_ =	swait.ge [sflag:s23], $0x200  }
0x9f: {  	[sflag:s23] =	ssyncset.done $0x0  }
0xa0: {  	[sflag:s23] =	ssyncadd.s32 $0xFFFFFE00  }
0xa1: {  	_ =	swait.ge [sflag:s23], $0x200  }
0xa2: {  	[sflag:s23] =	ssyncset.done $0x0  }
0xa3: {  	[sflag:s23] =	ssyncadd.s32 $0xFFFFFE00  }
0xa4: {  	_ =	swait.ge [sflag:s23], $0x200  }
0xa5: {  	[sflag:s23] =	ssyncset.done $0x0  }
0xa6: {  	[sflag:s23] =	ssyncadd.s32 $0xFFFFFE00  }
0xa7: {  	_ =	swait.ge [sflag:s23], $0x200  }
0xa8: {  	[sflag:s23] =	ssyncset.done $0x0  }
0xa9: {  	[sflag:s23] =	ssyncadd.s32 $0xFFFFFE00  }
0xaa: {  	_ =	swait.ge [sflag:s23], $0x200  }
0xab: {  	[sflag:s23] =	ssyncset.done $0x0  }
0xac: {  	[sflag:s23] =	ssyncadd.s32 $0xFFFFFE00  }
0xad: {  	_ =	swait.ge [sflag:s23], $0x200  }
0xae: {  	[sflag:s23] =	ssyncset.done $0x0  }
0xaf: {  	[sflag:s23] =	ssyncadd.s32 $0xFFFFFE00  }
0xb0: {  	s30 =	simm.s32 $0x6;
	_ =	swait.ge [sflag:s23], $0x200  }
0xb1: {  	s28 =	simm.s32 $0x1;
	s29 =	simm.s32 $0x4;
	[sflag:s23] =	ssyncset.done $0x0  }
0xb2: {  	s26 =	simm.s32 $0x800;
	s24 =	simm.s32 $0x0;
	[sflag:s23] =	ssyncadd.s32 $0xFFFFFE00  }
0xb3: {  	s0 =	simm.s32 $0x400;
	s31 =	sor.u32 s24, s8;
	_ =	swait.ge [sflag:s23], $0x200  }
.LBB2_4:
0xb4: {  	[sflag:s23] =	ssyncset.done $0x0  }
0xb5: {  	s3 =	sadd.s32 s7, s31;
	s0 =	sand.u32 $0xC00, s0;
	[sflag:s23] =	ssyncadd.s32 $0xFFFFFE00  }
0xb6: {  	s3 =	sshll.u32 s3, $0xC;
	s0 =	sadd.s32 s0, s11;
	_ =	swait.ge [sflag:s19], $0x1000  }
0xb7: {  	s0 =	sadd.s32 s3, s0;
	[sflag:s19] =	ssyncset.done $0x0  }
0xb8: {  	s0 =	sadd.s32 $0x200, s0;
	[sflag:s19] =	ssyncadd.s32 $0xFFFFF000  }
0xb9: {  	[tilespmem:s20], [sflag:$0x1] =	stream.linear.gather [hbm4b:s0+s2], $0x1000, $0x38;
	[tilespmem:$0x16288] =	vst v63  }
0xba: {  	_ = 	snop  }
0xbb: {  	[spmem:s1] =	stream.indirect.scatter [tilespmem:s22], [sflag:$0x2], $0x1, s18, s21, $0xb8;
	[tilespmem:$0x16288] =	vst v63  }
0xbc: {  	s24 =	rddreg [dreg:$0x4]  }
0xbd: {  	[spmem:s1] =	stream.indirect.scatter [tilespmem:s22], [sflag:$0x2], $0x1, s24, s21, $0xb8;
	[tilespmem:$0x16288] =	vst v63  }
0xbe: {  	s3 =	rddreg [dreg:$0x5]  }
0xbf: {  	[spmem:s1] =	stream.indirect.scatter [tilespmem:s22], [sflag:$0x2], $0x1, s3, s21, $0xb8;
	[tilespmem:$0x16288] =	vst v63  }
0xc0: {  	s24 =	rddreg [dreg:$0x6]  }
0xc1: {  	[spmem:s1] =	stream.indirect.scatter [tilespmem:s22], [sflag:$0x2], $0x1, s24, s21, $0xb8;
	[tilespmem:$0x16288] =	vst v63  }
0xc2: {  	s3 =	rddreg [dreg:$0x7]  }
0xc3: {  	[spmem:s1] =	stream.indirect.scatter [tilespmem:s22], [sflag:$0x2], $0x1, s3, s21, $0xb8;
	[tilespmem:$0x16288] =	vst v63  }
0xc4: {  	s24 =	rddreg [dreg:$0x8]  }
0xc5: {  	[spmem:s1] =	stream.indirect.scatter [tilespmem:s22], [sflag:$0x2], $0x1, s24, s21, $0xb8;
	[tilespmem:$0x16288] =	vst v63  }
0xc6: {  	s3 =	rddreg [dreg:$0x9]  }
0xc7: {  	[spmem:s1] =	stream.indirect.scatter [tilespmem:s22], [sflag:$0x2], $0x1, s3, s21, $0xb8;
	[tilespmem:$0x16288] =	vst v63  }
0xc8: {  	s24 =	rddreg [dreg:$0xa]  }
0xc9: {  	[spmem:s1] =	stream.indirect.scatter [tilespmem:s22], [sflag:$0x2], $0x1, s24, s21, $0xb8;
	[tilespmem:$0x16288] =	vst v63  }
0xca: {  	_ =	swait.ge [sflag:s23], $0x200  }
0xcb: {  	[sflag:s23] =	ssyncset.done $0x0  }
0xcc: {  	[sflag:s23] =	ssyncadd.s32 $0xFFFFFE00  }
0xcd: {  	_ =	swait.ge [sflag:s23], $0x200  }
0xce: {  	[sflag:s23] =	ssyncset.done $0x0  }
0xcf: {  	[sflag:s23] =	ssyncadd.s32 $0xFFFFFE00  }
0xd0: {  	_ =	swait.ge [sflag:s23], $0x200  }
0xd1: {  	[sflag:s23] =	ssyncset.done $0x0  }
0xd2: {  	[sflag:s23] =	ssyncadd.s32 $0xFFFFFE00  }
0xd3: {  	_ =	swait.ge [sflag:s23], $0x200  }
0xd4: {  	[sflag:s23] =	ssyncset.done $0x0  }
0xd5: {  	[sflag:s23] =	ssyncadd.s32 $0xFFFFFE00  }
0xd6: {  	_ =	swait.ge [sflag:s23], $0x200  }
0xd7: {  	[sflag:s23] =	ssyncset.done $0x0  }
0xd8: {  	[sflag:s23] =	ssyncadd.s32 $0xFFFFFE00  }
0xd9: {  	_ =	swait.ge [sflag:s23], $0x200  }
0xda: {  	[sflag:s23] =	ssyncset.done $0x0  }
0xdb: {  	[sflag:s23] =	ssyncadd.s32 $0xFFFFFE00  }
0xdc: {  	_ =	swait.ge [sflag:s23], $0x200  }
0xdd: {  	p1 =	seq.s32 s28, $0x7;
	[sflag:s23] =	ssyncset.done $0x0  }
0xde: {  	s0 =	sshrl.u32 @!p1 s29, $0x3;
	[sflag:s23] =	ssyncadd.s32 $0xFFFFFE00  }
0xdf: {  	s29 =	sand.u32 @!p1 $0xC00, s26;
	s0 =	sadd.s32 @!p1 s6, s0;
	_ =	swait.ge [sflag:s23], $0x200  }
0xe0: {  	s29 =	sadd.s32 @!p1 s4, s29;
	s3 =	simm.s32 @!p1 $0x0;
	[sflag:s23] =	ssyncset.done $0x0  }
0xe1: {  	s24 =	sshll.u32 @!p1 s0, $0xD;
	s0 =	sand.u32 @!p1 $0x3, s0;
	[sflag:s23] =	ssyncadd.s32 $0xFFFFFE00  }
0xe2: {  	s24 =	sand.u32 @!p1 $0xFFF8000, s24;
	s0 =	sor.u32 @!p1 s7, s0;
	_ =	swait.ge [sflag:s19], $0x1000  }
0xe3: {  	s0 =	sshll.u32 @!p1 s0, $0xC;
	s24 =	sadd.s32 @!p1 s24, s29;
	[sflag:s19] =	ssyncset.done $0x0  }
0xe4: {  	s29 =	simm.s32 @!p1 $0x10008;
	s0 =	sadd.s32 @!p1 s0, s24;
	[sflag:s19] =	ssyncadd.s32 $0xFFFFF000  }
0xe5: {  	[tilespmem:s29], [sflag:$0x1] =	stream.linear.gather @!p1 [hbm4b:s0+s3], $0x1000, $0x38;
	[tilespmem:$0x16288] =	vst v63  }
0xe6: {  	_ = 	snop  }
0xe7: {  	[spmem:s1] =	stream.indirect.scatter [tilespmem:s22], [sflag:$0x2], $0x1, s20, s21, $0xb8;
	[tilespmem:$0x16288] =	vst v63  }
0xe8: {  	s24 =	rddreg [dreg:$0xb]  }
0xe9: {  	[spmem:s1] =	stream.indirect.scatter [tilespmem:s22], [sflag:$0x2], $0x1, s24, s21, $0xb8;
	[tilespmem:$0x16288] =	vst v63  }
0xea: {  	s0 =	rddreg [dreg:$0xc]  }
0xeb: {  	[spmem:s1] =	stream.indirect.scatter [tilespmem:s22], [sflag:$0x2], $0x1, s0, s21, $0xb8;
	[tilespmem:$0x16288] =	vst v63  }
0xec: {  	s3 =	rddreg [dreg:$0xd]  }
0xed: {  	[spmem:s1] =	stream.indirect.scatter [tilespmem:s22], [sflag:$0x2], $0x1, s3, s21, $0xb8;
	[tilespmem:$0x16288] =	vst v63  }
0xee: {  	s24 =	rddreg [dreg:$0xe]  }
0xef: {  	[spmem:s1] =	stream.indirect.scatter [tilespmem:s22], [sflag:$0x2], $0x1, s24, s21, $0xb8;
	[tilespmem:$0x16288] =	vst v63  }
0xf0: {  	s0 =	rddreg [dreg:$0xf]  }
0xf1: {  	[spmem:s1] =	stream.indirect.scatter [tilespmem:s22], [sflag:$0x2], $0x1, s0, s21, $0xb8;
	[tilespmem:$0x16288] =	vst v63  }
0xf2: {  	s3 =	rddreg [dreg:$0x10]  }
0xf3: {  	[spmem:s1] =	stream.indirect.scatter [tilespmem:s22], [sflag:$0x2], $0x1, s3, s21, $0xb8;
	[tilespmem:$0x16288] =	vst v63  }
0xf4: {  	s24 =	rddreg [dreg:$0x11]  }
0xf5: {  	[spmem:s1] =	stream.indirect.scatter [tilespmem:s22], [sflag:$0x2], $0x1, s24, s21, $0xb8;
	[tilespmem:$0x16288] =	vst v63  }
0xf6: {  	_ =	swait.ge [sflag:s23], $0x200  }
0xf7: {  	[sflag:s23] =	ssyncset.done $0x0  }
0xf8: {  	[sflag:s23] =	ssyncadd.s32 $0xFFFFFE00  }
0xf9: {  	_ =	swait.ge [sflag:s23], $0x200  }
0xfa: {  	[sflag:s23] =	ssyncset.done $0x0  }
0xfb: {  	[sflag:s23] =	ssyncadd.s32 $0xFFFFFE00  }
0xfc: {  	_ =	swait.ge [sflag:s23], $0x200  }
0xfd: {  	[sflag:s23] =	ssyncset.done $0x0  }
0xfe: {  	[sflag:s23] =	ssyncadd.s32 $0xFFFFFE00  }
0xff: {  	_ =	swait.ge [sflag:s23], $0x200  }
0x100: {  	[sflag:s23] =	ssyncset.done $0x0  }
0x101: {  	[sflag:s23] =	ssyncadd.s32 $0xFFFFFE00  }
0x102: {  	_ =	swait.ge [sflag:s23], $0x200  }
0x103: {  	[sflag:s23] =	ssyncset.done $0x0  }
0x104: {  	[sflag:s23] =	ssyncadd.s32 $0xFFFFFE00  }
0x105: {  	s31 =	smov.u32 s30;
	s30 =	sadd.s32 $0x2, s30;
	_ =	swait.ge [sflag:s23], $0x200  }
0x106: {  	p0 =	sne.s32 s30, $0x12;
	[sflag:s23] =	ssyncset.done $0x0  }
.Ltmp1:
0x107: {  	[sflag:s23] =	ssyncadd.s32 $0xFFFFFE00;
	(pc) =	sbr.rel @p0 .LBB2_4-.Ltmp1, $4  }
0x108: {  	_ =	swait.ge [sflag:s23], $0x200  }
0x109: {  	s28 =	sadd.s32 $0x1, s28;
	s26 =	sadd.s32 $0x400, s26;
	[sflag:s23] =	ssyncset.done $0x0  }
0x10a: {  	s29 =	smov.u32 s31;
	s24 =	sshrl.u32 s28, $0x2;
	[sflag:s23] =	ssyncadd.s32 $0xFFFFFE00  }
0x10b: {  	s0 =	sadd.s32 $0xFFFFFC00, s26;
	s31 =	sor.u32 s24, s8;
	_ =	swait.ge [sflag:s23], $0x200  }
0x10c: {  	[sflag:s23] =	ssyncset.done $0x0  }
0x10d: {  	s3 =	sadd.s32 s7, s31;
	s0 =	sand.u32 $0xC00, s0;
	[sflag:s23] =	ssyncadd.s32 $0xFFFFFE00  }
0x10e: {  	s3 =	sshll.u32 s3, $0xC;
	s0 =	sadd.s32 s0, s11;
	_ =	swait.ge [sflag:s19], $0x1000  }
0x10f: {  	s0 =	sadd.s32 s3, s0;
	[sflag:s19] =	ssyncset.done $0x0  }
0x110: {  	s0 =	sadd.s32 $0x200, s0;
	[sflag:s19] =	ssyncadd.s32 $0xFFFFF000  }
0x111: {  	[tilespmem:s20], [sflag:$0x1] =	stream.linear.gather [hbm4b:s0+s2], $0x1000, $0x38;
	[tilespmem:$0x16288] =	vst v63  }
0x112: {  	_ = 	snop  }
0x113: {  	[spmem:s1] =	stream.indirect.scatter [tilespmem:s22], [sflag:$0x2], $0x1, s18, s21, $0xb8;
	[tilespmem:$0x16288] =	vst v63  }
0x114: {  	s24 =	rddreg [dreg:$0x4]  }
0x115: {  	[spmem:s1] =	stream.indirect.scatter [tilespmem:s22], [sflag:$0x2], $0x1, s24, s21, $0xb8;
	[tilespmem:$0x16288] =	vst v63  }
0x116: {  	s30 =	rddreg [dreg:$0x5]  }
0x117: {  	[spmem:s1] =	stream.indirect.scatter [tilespmem:s22], [sflag:$0x2], $0x1, s30, s21, $0xb8;
	[tilespmem:$0x16288] =	vst v63  }
0x118: {  	s31 =	rddreg [dreg:$0x6]  }
0x119: {  	[spmem:s1] =	stream.indirect.scatter [tilespmem:s22], [sflag:$0x2], $0x1, s31, s21, $0xb8;
	[tilespmem:$0x16288] =	vst v63  }
0x11a: {  	s24 =	rddreg [dreg:$0x7]  }
0x11b: {  	[spmem:s1] =	stream.indirect.scatter [tilespmem:s22], [sflag:$0x2], $0x1, s24, s21, $0xb8;
	[tilespmem:$0x16288] =	vst v63  }
0x11c: {  	s30 =	rddreg [dreg:$0x8]  }
0x11d: {  	[spmem:s1] =	stream.indirect.scatter [tilespmem:s22], [sflag:$0x2], $0x1, s30, s21, $0xb8;
	[tilespmem:$0x16288] =	vst v63  }
0x11e: {  	s31 =	rddreg [dreg:$0x9]  }
0x11f: {  	[spmem:s1] =	stream.indirect.scatter [tilespmem:s22], [sflag:$0x2], $0x1, s31, s21, $0xb8;
	[tilespmem:$0x16288] =	vst v63  }
0x120: {  	s24 =	rddreg [dreg:$0xa]  }
0x121: {  	[spmem:s1] =	stream.indirect.scatter [tilespmem:s22], [sflag:$0x2], $0x1, s24, s21, $0xb8;
	[tilespmem:$0x16288] =	vst v63  }
0x122: {  	_ =	swait.ge [sflag:s23], $0x200  }
0x123: {  	[sflag:s23] =	ssyncset.done $0x0  }
0x124: {  	[sflag:s23] =	ssyncadd.s32 $0xFFFFFE00  }
0x125: {  	_ =	swait.ge [sflag:s23], $0x200  }
0x126: {  	[sflag:s23] =	ssyncset.done $0x0  }
0x127: {  	[sflag:s23] =	ssyncadd.s32 $0xFFFFFE00  }
0x128: {  	_ =	swait.ge [sflag:s23], $0x200  }
0x129: {  	[sflag:s23] =	ssyncset.done $0x0  }
0x12a: {  	[sflag:s23] =	ssyncadd.s32 $0xFFFFFE00  }
0x12b: {  	_ =	swait.ge [sflag:s23], $0x200  }
0x12c: {  	[sflag:s23] =	ssyncset.done $0x0  }
0x12d: {  	[sflag:s23] =	ssyncadd.s32 $0xFFFFFE00  }
0x12e: {  	_ =	swait.ge [sflag:s23], $0x200  }
0x12f: {  	[sflag:s23] =	ssyncset.done $0x0  }
0x130: {  	[sflag:s23] =	ssyncadd.s32 $0xFFFFFE00  }
0x131: {  	_ =	swait.ge [sflag:s23], $0x200  }
0x132: {  	[sflag:s23] =	ssyncset.done $0x0  }
0x133: {  	[sflag:s23] =	ssyncadd.s32 $0xFFFFFE00  }
0x134: {  	_ =	swait.ge [sflag:s23], $0x200  }
0x135: {  	p0 =	seq.s32 s28, $0x7;
	[sflag:s23] =	ssyncset.done $0x0  }
0x136: {  	s0 =	sshrl.u32 @!p0 s29, $0x3;
	[sflag:s23] =	ssyncadd.s32 $0xFFFFFE00  }
0x137: {  	s3 =	simm.s32 @!p0 $0x0;
	s0 =	sadd.s32 @!p0 s6, s0;
	_ =	swait.ge [sflag:s23], $0x200  }
0x138: {  	s24 =	sand.u32 @!p0 $0xC00, s26;
	s26 =	sshll.u32 @!p0 s0, $0xD;
	[sflag:s23] =	ssyncset.done $0x0  }
0x139: {  	s0 =	sand.u32 @!p0 $0x3, s0;
	s26 =	sand.u32 @!p0 $0xFFF8000, s26;
	[sflag:s23] =	ssyncadd.s32 $0xFFFFFE00  }
0x13a: {  	s0 =	sor.u32 @!p0 s7, s0;
	s24 =	sadd.s32 @!p0 s4, s24;
	_ =	swait.ge [sflag:s19], $0x1000  }
0x13b: {  	s0 =	sshll.u32 @!p0 s0, $0xC;
	s24 =	sadd.s32 @!p0 s26, s24;
	[sflag:s19] =	ssyncset.done $0x0  }
0x13c: {  	s26 =	simm.s32 @!p0 $0x10008;
	s0 =	sadd.s32 @!p0 s0, s24;
	[sflag:s19] =	ssyncadd.s32 $0xFFFFF000  }
0x13d: {  	[tilespmem:s26], [sflag:$0x1] =	stream.linear.gather @!p0 [hbm4b:s0+s3], $0x1000, $0x38;
	[tilespmem:$0x16288] =	vst v63  }
0x13e: {  	_ = 	snop  }
0x13f: {  	[spmem:s1] =	stream.indirect.scatter [tilespmem:s22], [sflag:$0x2], $0x1, s20, s21, $0xb8;
	[tilespmem:$0x16288] =	vst v63  }
0x140: {  	s30 =	rddreg [dreg:$0xb]  }
0x141: {  	[spmem:s1] =	stream.indirect.scatter [tilespmem:s22], [sflag:$0x2], $0x1, s30, s21, $0xb8;
	[tilespmem:$0x16288] =	vst v63  }
0x142: {  	s31 =	rddreg [dreg:$0xc]  }
0x143: {  	[spmem:s1] =	stream.indirect.scatter [tilespmem:s22], [sflag:$0x2], $0x1, s31, s21, $0xb8;
	[tilespmem:$0x16288] =	vst v63  }
0x144: {  	s24 =	rddreg [dreg:$0xd]  }
0x145: {  	[spmem:s1] =	stream.indirect.scatter [tilespmem:s22], [sflag:$0x2], $0x1, s24, s21, $0xb8;
	[tilespmem:$0x16288] =	vst v63  }
0x146: {  	s26 =	rddreg [dreg:$0xe]  }
0x147: {  	[spmem:s1] =	stream.indirect.scatter [tilespmem:s22], [sflag:$0x2], $0x1, s26, s21, $0xb8;
	[tilespmem:$0x16288] =	vst v63  }
0x148: {  	s28 =	rddreg [dreg:$0xf]  }
0x149: {  	[spmem:s1] =	stream.indirect.scatter [tilespmem:s22], [sflag:$0x2], $0x1, s28, s21, $0xb8;
	[tilespmem:$0x16288] =	vst v63  }
0x14a: {  	s29 =	rddreg [dreg:$0x10]  }
0x14b: {  	[spmem:s1] =	stream.indirect.scatter [tilespmem:s22], [sflag:$0x2], $0x1, s29, s21, $0xb8;
	[tilespmem:$0x16288] =	vst v63  }
0x14c: {  	s30 =	rddreg [dreg:$0x11]  }
0x14d: {  	[spmem:s1] =	stream.indirect.scatter [tilespmem:s22], [sflag:$0x2], $0x1, s30, s21, $0xb8;
	[tilespmem:$0x16288] =	vst v63  }
0x14e: {  	_ =	swait.ge [sflag:s23], $0x200  }
0x14f: {  	[sflag:s23] =	ssyncset.done $0x0  }
0x150: {  	[sflag:s23] =	ssyncadd.s32 $0xFFFFFE00  }
0x151: {  	_ =	swait.ge [sflag:s23], $0x200  }
0x152: {  	[sflag:s23] =	ssyncset.done $0x0  }
0x153: {  	[sflag:s23] =	ssyncadd.s32 $0xFFFFFE00  }
0x154: {  	_ =	swait.ge [sflag:s23], $0x200  }
0x155: {  	[sflag:s23] =	ssyncset.done $0x0  }
0x156: {  	[sflag:s23] =	ssyncadd.s32 $0xFFFFFE00  }
0x157: {  	_ =	swait.ge [sflag:s23], $0x200  }
0x158: {  	[sflag:s23] =	ssyncset.done $0x0  }
0x159: {  	[sflag:s23] =	ssyncadd.s32 $0xFFFFFE00  }
0x15a: {  	_ =	swait.ge [sflag:s23], $0x200  }
0x15b: {  	[sflag:s23] =	ssyncset.done $0x0  }
0x15c: {  	[sflag:s23] =	ssyncadd.s32 $0xFFFFFE00  }
0x15d: {  	_ =	swait.ge [sflag:s23], $0x200  }
0x15e: {  	[sflag:s23] =	ssyncset.done $0x0  }
0x15f: {  	[sflag:s23] =	ssyncadd.s32 $0xFFFFFE00  }
0x160: {  	_ =	swait.ge [sflag:s23], $0x200  }
0x161: {  	[sflag:s23] =	ssyncset.done $0x0  }
0x162: {  	[sflag:s23] =	ssyncadd.s32 $0xFFFFFE00  }
0x163: {  	_ =	swait.ge [sflag:s23], $0x200  }
0x164: {  	[sflag:s23] =	ssyncset.done $0x0  }
0x165: {  	[sflag:s23] =	ssyncadd.s32 $0xFFFFFE00  }
0x166: {  	[bflag:$0x0] =	sbarrier.arrive $0xFFFF  }
0x167: {  	[tilespmem:s16], [sflag:$0x3] =	stream.linear.gather [spmem:s5], $0x4000, $0x38;
	[tilespmem:$0x16288] =	vst v63  }
0x168: {  	_ =	swait.ge [sflag:s17], $0x4000  }
0x169: {  	[sflag:s17] =	ssyncset.done $0x0  }
0x16a: {  	s31 =	simm.s32 $0x0;
	[sflag:s17] =	ssyncadd.s32 $0xFFFFC000  }
0x16b: {  	v3 =	vld [tilespmem:s31+$0x12238]  }
0x16c: {  	v4 =	vld [tilespmem:s31+$0x12208]  }
0x16d: {  	v2 =	vimm.f32 $0.0e+00;
	v5 =	vld [tilespmem:s31+$0x12218]  }
0x16e: {  	v10 =	vimm.f32 $0.0e+00;
	v9 =	vimm.f32 $0.0e+00;
	v11 =	vimm.f32 $0.0e+00;
	s26 =	simm.s32 $0x100;
	v8 =	vld [tilespmem:s31+$0x12228]  }
.LBB2_6:
0x16f: {  	p0 =	sne.s32 s26, $0xFF00  }
.Ltmp2:
0x170: {  	s0 =	sshra.s32 s26, $0x2;
	s26 =	sadd.s32 $0x100, s26;
	v2 =	vadd.f32 v3, v2;
	(pc) =	sbr.rel @p0 .LBB2_6-.Ltmp2, $4  }
0x171: {  	v3 =	vld [tilespmem:s0+$0x12238];
	v10 =	vadd.f32 v4, v10  }
0x172: {  	v4 =	vld [tilespmem:s0+$0x12208];
	v9 =	vadd.f32 v5, v9  }
0x173: {  	v5 =	vld [tilespmem:s0+$0x12218];
	v11 =	vadd.f32 v8, v11  }
0x174: {  	v8 =	vld [tilespmem:s0+$0x12228]  }
0x175: {  	[tilespmem:s16], [sflag:$0x3] =	stream.linear.gather [spmem:s9], $0x4000, $0x38;
	[tilespmem:$0x16288] =	vst v63  }
0x176: {  	_ =	swait.ge [sflag:s17], $0x4000  }
0x177: {  	[sflag:s17] =	ssyncset.done $0x0  }
0x178: {  	s0 =	simm.s32 $0x0;
	[sflag:s17] =	ssyncadd.s32 $0xFFFFC000  }
0x179: {  	v6 =	vld [tilespmem:s0+$0x12238]  }
0x17a: {  	v7 =	vld [tilespmem:s0+$0x12208]  }
0x17b: {  	v2 =	vadd.f32 v3, v2;
	v3 =	vadd.f32 v4, v10;
	v10 =	vld [tilespmem:s0+$0x12218]  }
0x17c: {  	s26 =	simm.s32 $0x100;
	v4 =	vadd.f32 v5, v9;
	v5 =	vadd.f32 v8, v11;
	v11 =	vld [tilespmem:s0+$0x12228]  }
.LBB2_8:
0x17d: {  	p0 =	sne.s32 s26, $0xFF00  }
.Ltmp3:
0x17e: {  	s0 =	sshra.s32 s26, $0x2;
	s26 =	sadd.s32 $0x100, s26;
	v2 =	vadd.f32 v6, v2;
	(pc) =	sbr.rel @p0 .LBB2_8-.Ltmp3, $4  }
0x17f: {  	v6 =	vld [tilespmem:s0+$0x12238];
	v3 =	vadd.f32 v7, v3  }
0x180: {  	v7 =	vld [tilespmem:s0+$0x12208];
	v4 =	vadd.f32 v10, v4  }
0x181: {  	v10 =	vld [tilespmem:s0+$0x12218];
	v5 =	vadd.f32 v11, v5  }
0x182: {  	v11 =	vld [tilespmem:s0+$0x12228]  }
0x183: {  	[tilespmem:s16], [sflag:$0x3] =	stream.linear.gather [spmem:s10], $0x4000, $0x38;
	[tilespmem:$0x16288] =	vst v63  }
0x184: {  	_ =	swait.ge [sflag:s17], $0x4000  }
0x185: {  	[sflag:s17] =	ssyncset.done $0x0  }
0x186: {  	s0 =	simm.s32 $0x0;
	[sflag:s17] =	ssyncadd.s32 $0xFFFFC000  }
0x187: {  	v8 =	vld [tilespmem:s0+$0x12238]  }
0x188: {  	v9 =	vld [tilespmem:s0+$0x12208]  }
0x189: {  	v2 =	vadd.f32 v6, v2;
	v3 =	vadd.f32 v7, v3;
	v6 =	vld [tilespmem:s0+$0x12218]  }
0x18a: {  	s26 =	simm.s32 $0x100;
	v4 =	vadd.f32 v10, v4;
	v5 =	vadd.f32 v11, v5;
	v10 =	vld [tilespmem:s0+$0x12228]  }
.LBB2_10:
0x18b: {  	p0 =	sne.s32 s26, $0xFF00  }
.Ltmp4:
0x18c: {  	s0 =	sshra.s32 s26, $0x2;
	s26 =	sadd.s32 $0x100, s26;
	v2 =	vadd.f32 v8, v2;
	(pc) =	sbr.rel @p0 .LBB2_10-.Ltmp4, $4  }
0x18d: {  	v8 =	vld [tilespmem:s0+$0x12238];
	v3 =	vadd.f32 v9, v3  }
0x18e: {  	v9 =	vld [tilespmem:s0+$0x12208];
	v4 =	vadd.f32 v6, v4  }
0x18f: {  	v6 =	vld [tilespmem:s0+$0x12218];
	v5 =	vadd.f32 v10, v5  }
0x190: {  	v10 =	vld [tilespmem:s0+$0x12228]  }
0x191: {  	[tilespmem:s16], [sflag:$0x3] =	stream.linear.gather [spmem:s12], $0x4000, $0x38;
	[tilespmem:$0x16288] =	vst v63  }
0x192: {  	_ =	swait.ge [sflag:s17], $0x4000  }
0x193: {  	[sflag:s17] =	ssyncset.done $0x0  }
0x194: {  	s0 =	simm.s32 $0x0;
	[sflag:s17] =	ssyncadd.s32 $0xFFFFC000  }
0x195: {  	v7 =	vld [tilespmem:s0+$0x12238]  }
0x196: {  	v11 =	vld [tilespmem:s0+$0x12208]  }
0x197: {  	v2 =	vadd.f32 v8, v2;
	v3 =	vadd.f32 v9, v3;
	v8 =	vld [tilespmem:s0+$0x12218]  }
0x198: {  	s26 =	simm.s32 $0x100;
	v4 =	vadd.f32 v6, v4;
	v5 =	vadd.f32 v10, v5;
	v6 =	vld [tilespmem:s0+$0x12228]  }
.LBB2_12:
0x199: {  	p0 =	sne.s32 s26, $0xFF00  }
.Ltmp5:
0x19a: {  	s0 =	sshra.s32 s26, $0x2;
	s26 =	sadd.s32 $0x100, s26;
	v2 =	vadd.f32 v7, v2;
	(pc) =	sbr.rel @p0 .LBB2_12-.Ltmp5, $4  }
0x19b: {  	v7 =	vld [tilespmem:s0+$0x12238];
	v3 =	vadd.f32 v11, v3  }
0x19c: {  	v11 =	vld [tilespmem:s0+$0x12208];
	v4 =	vadd.f32 v8, v4  }
0x19d: {  	v8 =	vld [tilespmem:s0+$0x12218];
	v5 =	vadd.f32 v6, v5  }
0x19e: {  	v6 =	vld [tilespmem:s0+$0x12228]  }
0x19f: {  	_ = 	snop  }
0x1a0: {  	v2 =	vadd.f32 v7, v2  }
0x1a1: {  	v3 =	vadd.f32 v11, v3  }
0x1a2: {  	v4 =	vadd.f32 v8, v4;
	[tilespmem:$0x16238] =	vst v2  }
0x1a3: {  	s25 =	sadd.s32 $0x1, s25;
	v5 =	vadd.f32 v6, v5;
	[tilespmem:$0x16208] =	vst v3  }
0x1a4: {  	p0 =	sne.s32 s25, s15;
	[tilespmem:$0x16218] =	vst v4  }
.Ltmp6:
0x1a5: {  	s0 =	simm.s32 $0x16208;
	[tilespmem:$0x16228] =	vst v5;
	(pc) =	sbr.rel @p0 .LBB2_1-.Ltmp6, $4  }
0x1a6: {  	[hbm4b:s14+s2] =	stream.linear.scatter [tilespmem:s0], [sflag:$0x3], $0x80, $0x38;
	[tilespmem:$0x16288] =	vst v63  }
0x1a7: {  	_ =	swait.ge [sflag:s17], $0x80  }
0x1a8: {  	[sflag:s17] =	ssyncset.done $0x0  }
0x1a9: {  	[sflag:s17] =	ssyncadd.s32 $0xFFFFFF80  }
0x1aa: {  	_ =	sfence.sel $0x180000  }
0x1ab: {  	[bflag:$0x0] =	sbarrier.arrive $0xFFFF  }
0x1ac: {  	_ =	strace $0x90000047  }
0x1ad: {  	s0 =	stileid.u32;
	[bflag:$0x2] =	sbarrier.arrive $0xFFFF  }
0x1ae: {  	p0 =	sne.s32 s0, $0x0;
	s0 =	rddreg [dreg:$0x3]  }
0x1af: {  	s0 =	sadd.s32 @!p0 $0x100000, s0  }
0x1b0: {  	[sflag:s0] =	ssyncadd.tile.s32 @!p0 $0x1;
	_ =	shalt  }
.Lfunc_end2:
_tile_overlayer_lowered:
.L_overlay_start_2:
0x1b1: {  	(tag) =	ssettag $0x2  }
0x1b2: {  	s0 =	rddreg [dreg:$0x0];
	s2 =	stileid.u32  }
0x1b3: {  	s1 =	rddreg [dreg:$0x1];
	p0 =	sne.s32 s2, $0x0  }
0x1b4: {  	s3 =	rddreg [dreg:$0x2];
	[bflag:$0x3] =	sbarrier.arrive $0xFFFF;
	s2 =	simm.s32 @!p0 $0x1C03  }
0x1b5: {  	[timem:s3], [sflag:s2] =	dma.local @!p0 [hbm:s0], s1  }
0x1b6: {  	s0 =	simm.s32 @!p0 $0x3  }
0x1b7: {  	_ =	swait.ge @!p0 [sflag:s0], s1  }
0x1b8: {  	s1 =	ssub.s32 @!p0 $0x0, s1;
	[sflag:s0] =	ssyncset.done @!p0 $0x0  }
0x1b9: {  	[sflag:s0] =	ssyncadd.s32 @!p0 s1  }
0x1ba: {  	[bflag:$0x3] =	sbarrier.arrive $0xFFFF  }
0x1bb: {  	_ =	shalt  }

</sc_bundles>
